<compile_context>
chip_gen: v7x
topology: tpu7x:2x2x1
jax: 0.10.2.dev20260603
libtpu: 0.0.44.dev20260713+nightly
codegen_flags: <defaults>
</compile_context>

<pallas_src>
import functools

import jax
import jax.numpy as jnp
from jax import lax
from jax.experimental import pallas as pl
from jax.experimental.pallas import tpu as pltpu
from jax.experimental.pallas import tpu_sc as plsc

N = 10000
E = 320000
D1 = 128
D2 = 40
NC = 2
NS = 16
NW = NC * NS
EPW = E // NW
CH = 128
NFULL = EPW // CH
TAIL = EPW - NFULL * CH
RPT = 624
REM = N - NS * RPT


@functools.cache
def _make_agg():
    mesh = plsc.VectorSubcoreMesh(
        core_axis_name="c", subcore_axis_name="s", num_cores=NC, num_subcores=NS
    )

    @functools.partial(
        pl.kernel,
        out_type=jax.ShapeDtypeStruct((NC, N, D1), jnp.float32),
        mesh=mesh,
        scratch_types=[
            pltpu.VMEM_SHARED((N, D1), jnp.float32),
            pltpu.VMEM((CH, D1), jnp.float32),
            pltpu.VMEM((CH, D1), jnp.float32),
            pltpu.VMEM((CH,), jnp.int32),
            pltpu.VMEM((CH,), jnp.int32),
            pltpu.VMEM((CH,), jnp.int32),
            pltpu.VMEM((CH,), jnp.int32),
            pltpu.VMEM((TAIL, D1), jnp.float32),
            pltpu.VMEM((TAIL,), jnp.int32),
            pltpu.VMEM((TAIL,), jnp.int32),
            pltpu.SemaphoreType.DMA,
            pltpu.SemaphoreType.DMA,
        ],
    )
    def _agg(z_hbm, src_hbm, dst_hbm, out_hbm,
             acc_sh, rows_v, rows_w, srci, dsti, srcj, dstj,
             rows_t, srci_t, dsti_t, sem, sem2):
        c = lax.axis_index("c")
        s = lax.axis_index("s")
        wid = c * NS + s

        pltpu.sync_copy(
            z_hbm.at[pl.ds(s * RPT, RPT)], acc_sh.at[pl.ds(s * RPT, RPT)]
        )

        @pl.when(s == 0)
        def _():
            pltpu.sync_copy(
                z_hbm.at[pl.ds(NS * RPT, REM)], acc_sh.at[pl.ds(NS * RPT, REM)]
            )

        plsc.subcore_barrier()

        base = wid * EPW

        def body(i, carry):
            off0 = base + 2 * i * CH
            off1 = off0 + CH
            pltpu.sync_copy(src_hbm.at[pl.ds(off0, CH)], srci)
            pltpu.sync_copy(dst_hbm.at[pl.ds(off0, CH)], dsti)
            g0 = pltpu.async_copy(z_hbm.at[srci], rows_v, sem)
            pltpu.sync_copy(src_hbm.at[pl.ds(off1, CH)], srcj)
            pltpu.sync_copy(dst_hbm.at[pl.ds(off1, CH)], dstj)
            g1 = pltpu.async_copy(z_hbm.at[srcj], rows_w, sem2)
            g0.wait()
            pltpu.sync_copy(rows_v, acc_sh.at[dsti], add=True)
            g1.wait()
            pltpu.sync_copy(rows_w, acc_sh.at[dstj], add=True)
            return carry

        lax.fori_loop(0, NFULL // 2, body, 0)
        toff = base + NFULL * CH
        pltpu.sync_copy(src_hbm.at[pl.ds(toff, TAIL)], srci_t)
        pltpu.sync_copy(dst_hbm.at[pl.ds(toff, TAIL)], dsti_t)
        pltpu.async_copy(z_hbm.at[srci_t], rows_t, sem).wait()
        pltpu.sync_copy(rows_t, acc_sh.at[dsti_t], add=True)

        plsc.subcore_barrier()
        pltpu.sync_copy(
            acc_sh.at[pl.ds(s * RPT, RPT)], out_hbm.at[c, pl.ds(s * RPT, RPT)]
        )

        @pl.when(s == 0)
        def _():
            pltpu.sync_copy(
                acc_sh.at[pl.ds(NS * RPT, REM)],
                out_hbm.at[c, pl.ds(NS * RPT, REM)],
            )

    return _agg


_RB = 1000
_GRID = N // _RB


def _dinv_block(ones_ref):
    deg = ones_ref[0, :, 0:1] + ones_ref[1, :, 0:1] - 1.0
    return lax.rsqrt(jnp.maximum(deg, 1e-12))


def _tc1_body(ones_ref, x_ref, w_ref, z_ref):
    dinv = _dinv_block(ones_ref)
    z_ref[...] = dinv * jnp.dot(x_ref[...], w_ref[...],
                                preferred_element_type=jnp.float32)


def _tc1(acc_ones, x, W1):
    return pl.pallas_call(
        _tc1_body,
        out_shape=jax.ShapeDtypeStruct((N, D1), jnp.float32),
        grid=(_GRID,),
        in_specs=[
            pl.BlockSpec((NC, _RB, D1), lambda i: (0, i, 0)),
            pl.BlockSpec((_RB, D1), lambda i: (i, 0)),
            pl.BlockSpec((D1, D1), lambda i: (0, 0)),
        ],
        out_specs=pl.BlockSpec((_RB, D1), lambda i: (i, 0)),
    )(acc_ones, x, W1)


def _tc2_body(acc_ref, z1_ref, ones_ref, b1_ref, w2_ref, z2_ref):
    dinv = _dinv_block(ones_ref)
    agg = acc_ref[0] + acc_ref[1] - z1_ref[...]
    h = jnp.maximum(dinv * agg + b1_ref[...], 0.0)
    z2_ref[...] = dinv * jnp.dot(h, w2_ref[...],
                                 preferred_element_type=jnp.float32)


def _tc2(acc1, z1, acc_ones, b1r, W2p):
    return pl.pallas_call(
        _tc2_body,
        out_shape=jax.ShapeDtypeStruct((N, D1), jnp.float32),
        grid=(_GRID,),
        in_specs=[
            pl.BlockSpec((NC, _RB, D1), lambda i: (0, i, 0)),
            pl.BlockSpec((_RB, D1), lambda i: (i, 0)),
            pl.BlockSpec((NC, _RB, D1), lambda i: (0, i, 0)),
            pl.BlockSpec((1, D1), lambda i: (0, 0)),
            pl.BlockSpec((D1, D1), lambda i: (0, 0)),
        ],
        out_specs=pl.BlockSpec((_RB, D1), lambda i: (i, 0)),
    )(acc1, z1, acc_ones, b1r, W2p)


def _tc3_body(acc_ref, z2_ref, ones_ref, b2_ref, o_ref):
    dinv = _dinv_block(ones_ref)
    logits = dinv * (acc_ref[0] + acc_ref[1] - z2_ref[...]) + b2_ref[...]
    col = lax.broadcasted_iota(jnp.int32, (_RB, D1), 1)
    logits = jnp.where(col < D2, logits, jnp.full_like(logits, -1e30))
    m = jnp.max(logits, axis=1, keepdims=True)
    lse = jnp.log(jnp.sum(jnp.exp(logits - m), axis=1, keepdims=True))
    o_ref[...] = (logits - m - lse)[:, :D2]


def _tc3(acc2, z2, acc_ones, b2p):
    return pl.pallas_call(
        _tc3_body,
        out_shape=jax.ShapeDtypeStruct((N, D2), jnp.float32),
        grid=(_GRID,),
        in_specs=[
            pl.BlockSpec((NC, _RB, D1), lambda i: (0, i, 0)),
            pl.BlockSpec((_RB, D1), lambda i: (i, 0)),
            pl.BlockSpec((NC, _RB, D1), lambda i: (0, i, 0)),
            pl.BlockSpec((1, D1), lambda i: (0, 0)),
        ],
        out_specs=pl.BlockSpec((_RB, D2), lambda i: (i, 0)),
    )(acc2, z2, acc_ones, b2p)


def kernel(x, edge_index, W1, b1, W2, b2):
    src = edge_index[0].astype(jnp.int32)
    dst = edge_index[1].astype(jnp.int32)
    W2p = jnp.pad(W2, ((0, 0), (0, D1 - D2)))
    b1r = b1.reshape(1, D1)
    b2p = jnp.pad(b2, (0, D1 - D2)).reshape(1, D1)
    ones_m = jnp.ones((N, D1), jnp.float32)

    agg = _make_agg()
    acc_ones = agg(ones_m, src, dst)
    z1 = _tc1(acc_ones, x, W1)
    acc1 = agg(z1, src, dst)
    z2 = _tc2(acc1, z1, acc_ones, b1r, W2p)
    acc2 = agg(z2, src, dst)
    return _tc3(acc2, z2, acc_ones, b2p)

# --- scband reference (transcript-rebuilt; emitter-appended) ---
"""Pipeline reference for scband-kipf-gcn-1743756722177 (READ-ONLY COPY).

The authoritative reference and input builder live on the scoring server;
editing this copy changes nothing except your own understanding.
"""

import jax, jax.numpy as jnp
import numpy as np

N_NODES = 10000
N_EDGES = 320000
D_FEAT = 128
GCN_DIM = 128
NUM_CLASS = 40


def gcn_conv(x, src, dst, W, b):
    # GCNConv: add self-loops, symmetric normalization, scatter-add aggregation
    n = x.shape[0]
    xw = x @ W
    deg = jnp.zeros((n,), dtype=xw.dtype).at[dst].add(1.0)
    dinv = jax.lax.rsqrt(jnp.maximum(deg, 1e-12))
    norm = dinv[src] * dinv[dst]
    msgs = jnp.take(xw, src, axis=0) * norm[:, None]
    out = jnp.zeros((n, xw.shape[1]), dtype=xw.dtype).at[dst].add(msgs)
    return out + b


def setup_inputs(seed: int = 0) -> dict:
    key = jax.random.key(seed)
    k1, k2, k3, k4, k5, k6 = jax.random.split(key, 6)
    x = jax.random.normal(k1, (N_NODES, D_FEAT), dtype=jnp.float32)
    edge_index = jax.random.randint(k2, (2, N_EDGES), 0, N_NODES, dtype=jnp.int64)
    s1 = 1.0 / np.sqrt(D_FEAT)
    W1 = jax.random.uniform(k3, (D_FEAT, GCN_DIM), dtype=jnp.float32, minval=-s1, maxval=s1)
    b1 = jnp.zeros((GCN_DIM,), dtype=jnp.float32)
    s2 = 1.0 / np.sqrt(GCN_DIM)
    W2 = jax.random.uniform(k4, (GCN_DIM, NUM_CLASS), dtype=jnp.float32, minval=-s2, maxval=s2)
    b2 = jnp.zeros((NUM_CLASS,), dtype=jnp.float32)
    return {"x": x, "edge_index": edge_index, "W1": W1, "b1": b1, "W2": W2, "b2": b2}


def reference(x, edge_index, W1, b1, W2, b2):
    n = x.shape[0]
    loop = jnp.arange(n, dtype=edge_index.dtype)
    src = jnp.concatenate([edge_index[0], loop])
    dst = jnp.concatenate([edge_index[1], loop])
    h = gcn_conv(x, src, dst, W1, b1)
    h = jax.nn.relu(h)
    # dropout is identity in eval mode (training=False)
    h = gcn_conv(h, src, dst, W2, b2)
    return jax.nn.log_softmax(h, axis=1)

if __name__ == "__main__":
    import jax
    _d = setup_inputs()
    print(jax.jit(kernel)(*tuple(_d.values())))

</pallas_src>

<mosaic_0001>
#map = affine_map<(d0, d1) -> (0, 0)>
#map1 = affine_map<(d0, d1) -> (0)>
#map2 = affine_map<(d0, d1) -> (0, 0, 0)>
module attributes {stable_mosaic.version = 14 : i64} {
  func.func @_agg(%arg0: i32, %arg1: i32, %arg2: memref<10000x128xf32, #tpu.memory_space<hbm>>, %arg3: memref<320000xi32, #tpu.memory_space<hbm>>, %arg4: memref<320000xi32, #tpu.memory_space<hbm>>, %arg5: memref<2x10000x128xf32, #tpu.memory_space<hbm>>, %arg6: memref<10000x128xf32, #tpu.memory_space<vmem_shared>>, %arg7: memref<128x128xf32, #tpu.memory_space<vmem>>, %arg8: memref<128x128xf32, #tpu.memory_space<vmem>>, %arg9: memref<128xi32, #tpu.memory_space<vmem>>, %arg10: memref<128xi32, #tpu.memory_space<vmem>>, %arg11: memref<128xi32, #tpu.memory_space<vmem>>, %arg12: memref<128xi32, #tpu.memory_space<vmem>>, %arg13: memref<16x128xf32, #tpu.memory_space<vmem>>, %arg14: memref<16xi32, #tpu.memory_space<vmem>>, %arg15: memref<16xi32, #tpu.memory_space<vmem>>, %arg16: memref<!tpu.dma_semaphore, #tpu.memory_space<semaphore_mem>>, %arg17: memref<!tpu.dma_semaphore, #tpu.memory_space<semaphore_mem>>) attributes {dimension_semantics = [#tpu.dimension_semantics<core_parallel>, #tpu.dimension_semantics<subcore_parallel>], iteration_bounds = array<i64: 2, 16>, scalar_prefetch = 0 : i64, scratch_operands = 12 : i64, tpu.core_type = #tpu.core_type<sc_vector_subcore>, window_params = [{transform_indices = #map}, {transform_indices = #map1}, {transform_indices = #map1}, {transform_indices = #map2}]} {
    %mul3A = arith.constant 16 : i32
    %mul3A_0 = arith.muli %arg0, %mul3A : i32
    %add3A = arith.addi %mul3A_0, %arg1 : i32
    %mul3A_1 = arith.constant 624 : i32
    %mul3A_2 = arith.muli %arg1, %mul3A_1 : i32
    %mul3A_3 = arith.constant 624 : i32
    %mul3A_4 = arith.muli %arg1, %mul3A_3 : i32
    "tpu.region"() ({
      %run_scoped3A = tpu.sem_alloc : memref<!tpu.dma_semaphore, #tpu.memory_space<semaphore_mem>>
      %dma_start3A_30 = arith.constant 0 : i32
      %dma_start3A_31 = tpu.memref_slice %arg6[%mul3A_4, %dma_start3A_30] : memref<10000x128xf32, #tpu.memory_space<vmem_shared>> -> memref<624x128xf32, #tpu.memory_space<vmem_shared>>
      %dma_start3A_32 = arith.constant 0 : i32
      %dma_start3A_33 = tpu.memref_slice %arg2[%mul3A_2, %dma_start3A_32] : memref<10000x128xf32, #tpu.memory_space<hbm>> -> memref<624x128xf32, #tpu.memory_space<hbm>>
      tpu.enqueue_dma source(%dma_start3A_33 : memref<624x128xf32, #tpu.memory_space<hbm>>) target(%dma_start3A_31 : memref<624x128xf32, #tpu.memory_space<vmem_shared>>) target_semaphore(%run_scoped3A : memref<!tpu.dma_semaphore, #tpu.memory_space<semaphore_mem>>)
      %dma_wait3A_34 = arith.constant 0 : i32
      %dma_wait3A_35 = tpu.memref_slice %arg6[%mul3A_4, %dma_wait3A_34] : memref<10000x128xf32, #tpu.memory_space<vmem_shared>> -> memref<624x128xf32, #tpu.memory_space<vmem_shared>>
      %dma_wait3A_36 = arith.constant 0 : i32
      %dma_wait3A_37 = tpu.memref_slice %arg2[%mul3A_2, %dma_wait3A_36] : memref<10000x128xf32, #tpu.memory_space<hbm>> -> memref<624x128xf32, #tpu.memory_space<hbm>>
      tpu.wait_dma2 semaphore(%run_scoped3A : memref<!tpu.dma_semaphore, #tpu.memory_space<semaphore_mem>>) src(%dma_wait3A_37 : memref<624x128xf32, #tpu.memory_space<hbm>>) dst(%dma_wait3A_35 : memref<624x128xf32, #tpu.memory_space<vmem_shared>>)
      tpu.yield
    }) : () -> ()
    %eq3A = arith.constant 0 : i32
    %eq3A_5 = arith.cmpi eq, %arg1, %eq3A : i32
    %convert_element_type3A = arith.extui %eq3A_5 : i1 to i32
    %cond3A = arith.constant 0 : i32
    %cond3A_6 = arith.cmpi ne, %convert_element_type3A, %cond3A : i32
    scf.if %cond3A_6 {
      "tpu.region"() ({
        %run_scoped3A = tpu.sem_alloc : memref<!tpu.dma_semaphore, #tpu.memory_space<semaphore_mem>>
        %dma_start3A_30 = arith.constant 9984 : i32
        %dma_start3A_31 = arith.constant 0 : i32
        %dma_start3A_32 = tpu.memref_slice %arg6[%dma_start3A_30, %dma_start3A_31] : memref<10000x128xf32, #tpu.memory_space<vmem_shared>> -> memref<16x128xf32, #tpu.memory_space<vmem_shared>>
        %dma_start3A_33 = arith.constant 9984 : i32
        %dma_start3A_34 = arith.constant 0 : i32
        %dma_start3A_35 = tpu.memref_slice %arg2[%dma_start3A_33, %dma_start3A_34] : memref<10000x128xf32, #tpu.memory_space<hbm>> -> memref<16x128xf32, #tpu.memory_space<hbm>>
        tpu.enqueue_dma source(%dma_start3A_35 : memref<16x128xf32, #tpu.memory_space<hbm>>) target(%dma_start3A_32 : memref<16x128xf32, #tpu.memory_space<vmem_shared>>) target_semaphore(%run_scoped3A : memref<!tpu.dma_semaphore, #tpu.memory_space<semaphore_mem>>)
        %dma_wait3A_36 = arith.constant 9984 : i32
        %dma_wait3A_37 = arith.constant 0 : i32
        %dma_wait3A_38 = tpu.memref_slice %arg6[%dma_wait3A_36, %dma_wait3A_37] : memref<10000x128xf32, #tpu.memory_space<vmem_shared>> -> memref<16x128xf32, #tpu.memory_space<vmem_shared>>
        %dma_wait3A_39 = arith.constant 9984 : i32
        %dma_wait3A_40 = arith.constant 0 : i32
        %dma_wait3A_41 = tpu.memref_slice %arg2[%dma_wait3A_39, %dma_wait3A_40] : memref<10000x128xf32, #tpu.memory_space<hbm>> -> memref<16x128xf32, #tpu.memory_space<hbm>>
        tpu.wait_dma2 semaphore(%run_scoped3A : memref<!tpu.dma_semaphore, #tpu.memory_space<semaphore_mem>>) src(%dma_wait3A_41 : memref<16x128xf32, #tpu.memory_space<hbm>>) dst(%dma_wait3A_38 : memref<16x128xf32, #tpu.memory_space<vmem_shared>>)
        tpu.yield
      }) : () -> ()
    } else {
    }
    %barrier3A = arith.constant 0 : index
    tpu.barrier barrier_id(%barrier3A)
    %mul3A_7 = arith.constant 10000 : i32
    %mul3A_8 = arith.muli %add3A, %mul3A_7 : i32
    %scan3A = arith.constant 0 : i32
    %scan3A_9 = arith.constant 0 : i32
    %scan3A_10 = arith.constant 39 : i32
    %scan3A_11 = arith.addi %scan3A_9, %scan3A_10 : i32
    %scan3A_12 = arith.constant 1 : i32
    scf.for %scan3A_30 = %scan3A_9 to %scan3A_11 step %scan3A_12  : i32 {
      %mul3A_31 = arith.constant 2 : i32
      %mul3A_32 = arith.muli %mul3A_31, %scan3A_30 : i32
      %mul3A_33 = arith.constant 128 : i32
      %mul3A_34 = arith.muli %mul3A_32, %mul3A_33 : i32
      %add3A_35 = arith.addi %mul3A_8, %mul3A_34 : i32
      %add3A_36 = arith.constant 128 : i32
      %add3A_37 = arith.addi %add3A_35, %add3A_36 : i32
      "tpu.region"() ({
        %run_scoped3A = tpu.sem_alloc : memref<!tpu.dma_semaphore, #tpu.memory_space<semaphore_mem>>
        %dma_start3A_50 = tpu.memref_slice %arg3[%add3A_35] : memref<320000xi32, #tpu.memory_space<hbm>> -> memref<128xi32, #tpu.memory_space<hbm>>
        %dma_start3A_51 = tpu.memref_slice %arg3[%add3A_35] : memref<320000xi32, #tpu.memory_space<hbm>> -> memref<128xi32, #tpu.memory_space<hbm>>
        tpu.enqueue_dma source(%dma_start3A_51 : memref<128xi32, #tpu.memory_space<hbm>>) target(%arg9 : memref<128xi32, #tpu.memory_space<vmem>>) target_semaphore(%run_scoped3A : memref<!tpu.dma_semaphore, #tpu.memory_space<semaphore_mem>>)
        %dma_wait3A_52 = tpu.memref_slice %arg3[%add3A_35] : memref<320000xi32, #tpu.memory_space<hbm>> -> memref<128xi32, #tpu.memory_space<hbm>>
        %dma_wait3A_53 = tpu.memref_slice %arg3[%add3A_35] : memref<320000xi32, #tpu.memory_space<hbm>> -> memref<128xi32, #tpu.memory_space<hbm>>
        tpu.wait_dma2 semaphore(%run_scoped3A : memref<!tpu.dma_semaphore, #tpu.memory_space<semaphore_mem>>) src(%dma_wait3A_53 : memref<128xi32, #tpu.memory_space<hbm>>) dst(%arg9 : memref<128xi32, #tpu.memory_space<vmem>>)
        tpu.yield
      }) : () -> ()
      "tpu.region"() ({
        %run_scoped3A = tpu.sem_alloc : memref<!tpu.dma_semaphore, #tpu.memory_space<semaphore_mem>>
        %dma_start3A_50 = tpu.memref_slice %arg4[%add3A_35] : memref<320000xi32, #tpu.memory_space<hbm>> -> memref<128xi32, #tpu.memory_space<hbm>>
        %dma_start3A_51 = tpu.memref_slice %arg4[%add3A_35] : memref<320000xi32, #tpu.memory_space<hbm>> -> memref<128xi32, #tpu.memory_space<hbm>>
        tpu.enqueue_dma source(%dma_start3A_51 : memref<128xi32, #tpu.memory_space<hbm>>) target(%arg10 : memref<128xi32, #tpu.memory_space<vmem>>) target_semaphore(%run_scoped3A : memref<!tpu.dma_semaphore, #tpu.memory_space<semaphore_mem>>)
        %dma_wait3A_52 = tpu.memref_slice %arg4[%add3A_35] : memref<320000xi32, #tpu.memory_space<hbm>> -> memref<128xi32, #tpu.memory_space<hbm>>
        %dma_wait3A_53 = tpu.memref_slice %arg4[%add3A_35] : memref<320000xi32, #tpu.memory_space<hbm>> -> memref<128xi32, #tpu.memory_space<hbm>>
        tpu.wait_dma2 semaphore(%run_scoped3A : memref<!tpu.dma_semaphore, #tpu.memory_space<semaphore_mem>>) src(%dma_wait3A_53 : memref<128xi32, #tpu.memory_space<hbm>>) dst(%arg10 : memref<128xi32, #tpu.memory_space<vmem>>)
        tpu.yield
      }) : () -> ()
      %dma_start3A_38 = arith.constant 0 : i32
      %dma_start3A_39 = arith.constant 0 : i32
      %dma_start3A_40 = tpu.memref_slice %arg2[%dma_start3A_38, %dma_start3A_39] : memref<10000x128xf32, #tpu.memory_space<hbm>> -> memref<10000x128xf32, #tpu.memory_space<hbm>>
      tpu.enqueue_indirect_dma source(%dma_start3A_40 : memref<10000x128xf32, #tpu.memory_space<hbm>>) target(%arg7 : memref<128x128xf32, #tpu.memory_space<vmem>>) offsets(%arg9 : memref<128xi32, #tpu.memory_space<vmem>>) semaphore(%arg16 : memref<!tpu.dma_semaphore, #tpu.memory_space<semaphore_mem>>)
      "tpu.region"() ({
        %run_scoped3A = tpu.sem_alloc : memref<!tpu.dma_semaphore, #tpu.memory_space<semaphore_mem>>
        %dma_start3A_50 = tpu.memref_slice %arg3[%add3A_37] : memref<320000xi32, #tpu.memory_space<hbm>> -> memref<128xi32, #tpu.memory_space<hbm>>
        %dma_start3A_51 = tpu.memref_slice %arg3[%add3A_37] : memref<320000xi32, #tpu.memory_space<hbm>> -> memref<128xi32, #tpu.memory_space<hbm>>
        tpu.enqueue_dma source(%dma_start3A_51 : memref<128xi32, #tpu.memory_space<hbm>>) target(%arg11 : memref<128xi32, #tpu.memory_space<vmem>>) target_semaphore(%run_scoped3A : memref<!tpu.dma_semaphore, #tpu.memory_space<semaphore_mem>>)
        %dma_wait3A_52 = tpu.memref_slice %arg3[%add3A_37] : memref<320000xi32, #tpu.memory_space<hbm>> -> memref<128xi32, #tpu.memory_space<hbm>>
        %dma_wait3A_53 = tpu.memref_slice %arg3[%add3A_37] : memref<320000xi32, #tpu.memory_space<hbm>> -> memref<128xi32, #tpu.memory_space<hbm>>
        tpu.wait_dma2 semaphore(%run_scoped3A : memref<!tpu.dma_semaphore, #tpu.memory_space<semaphore_mem>>) src(%dma_wait3A_53 : memref<128xi32, #tpu.memory_space<hbm>>) dst(%arg11 : memref<128xi32, #tpu.memory_space<vmem>>)
        tpu.yield
      }) : () -> ()
      "tpu.region"() ({
        %run_scoped3A = tpu.sem_alloc : memref<!tpu.dma_semaphore, #tpu.memory_space<semaphore_mem>>
        %dma_start3A_50 = tpu.memref_slice %arg4[%add3A_37] : memref<320000xi32, #tpu.memory_space<hbm>> -> memref<128xi32, #tpu.memory_space<hbm>>
        %dma_start3A_51 = tpu.memref_slice %arg4[%add3A_37] : memref<320000xi32, #tpu.memory_space<hbm>> -> memref<128xi32, #tpu.memory_space<hbm>>
        tpu.enqueue_dma source(%dma_start3A_51 : memref<128xi32, #tpu.memory_space<hbm>>) target(%arg12 : memref<128xi32, #tpu.memory_space<vmem>>) target_semaphore(%run_scoped3A : memref<!tpu.dma_semaphore, #tpu.memory_space<semaphore_mem>>)
        %dma_wait3A_52 = tpu.memref_slice %arg4[%add3A_37] : memref<320000xi32, #tpu.memory_space<hbm>> -> memref<128xi32, #tpu.memory_space<hbm>>
        %dma_wait3A_53 = tpu.memref_slice %arg4[%add3A_37] : memref<320000xi32, #tpu.memory_space<hbm>> -> memref<128xi32, #tpu.memory_space<hbm>>
        tpu.wait_dma2 semaphore(%run_scoped3A : memref<!tpu.dma_semaphore, #tpu.memory_space<semaphore_mem>>) src(%dma_wait3A_53 : memref<128xi32, #tpu.memory_space<hbm>>) dst(%arg12 : memref<128xi32, #tpu.memory_space<vmem>>)
        tpu.yield
      }) : () -> ()
      %dma_start3A_41 = arith.constant 0 : i32
      %dma_start3A_42 = arith.constant 0 : i32
      %dma_start3A_43 = tpu.memref_slice %arg2[%dma_start3A_41, %dma_start3A_42] : memref<10000x128xf32, #tpu.memory_space<hbm>> -> memref<10000x128xf32, #tpu.memory_space<hbm>>
      tpu.enqueue_indirect_dma source(%dma_start3A_43 : memref<10000x128xf32, #tpu.memory_space<hbm>>) target(%arg8 : memref<128x128xf32, #tpu.memory_space<vmem>>) offsets(%arg11 : memref<128xi32, #tpu.memory_space<vmem>>) semaphore(%arg17 : memref<!tpu.dma_semaphore, #tpu.memory_space<semaphore_mem>>)
      %dma_wait3A_44 = arith.constant 0 : i32
      %dma_wait3A_45 = arith.constant 0 : i32
      %dma_wait3A_46 = tpu.memref_slice %arg2[%dma_wait3A_44, %dma_wait3A_45] : memref<10000x128xf32, #tpu.memory_space<hbm>> -> memref<10000x128xf32, #tpu.memory_space<hbm>>
      tpu.wait_indirect_dma semaphore(%arg16 : memref<!tpu.dma_semaphore, #tpu.memory_space<semaphore_mem>>) src(%dma_wait3A_46 : memref<10000x128xf32, #tpu.memory_space<hbm>>) dst(%arg7 : memref<128x128xf32, #tpu.memory_space<vmem>>)
      "tpu.region"() ({
        %run_scoped3A = tpu.sem_alloc : memref<!tpu.dma_semaphore, #tpu.memory_space<semaphore_mem>>
        %dma_start3A_50 = arith.constant 0 : i32
        %dma_start3A_51 = arith.constant 0 : i32
        %dma_start3A_52 = tpu.memref_slice %arg6[%dma_start3A_50, %dma_start3A_51] : memref<10000x128xf32, #tpu.memory_space<vmem_shared>> -> memref<10000x128xf32, #tpu.memory_space<vmem_shared>>
        tpu.enqueue_indirect_dma source(%arg7 : memref<128x128xf32, #tpu.memory_space<vmem>>) target(%dma_start3A_52 : memref<10000x128xf32, #tpu.memory_space<vmem_shared>>) offsets(%arg10 : memref<128xi32, #tpu.memory_space<vmem>>) semaphore(%run_scoped3A : memref<!tpu.dma_semaphore, #tpu.memory_space<semaphore_mem>>) {add = true}
        %dma_wait3A_53 = arith.constant 0 : i32
        %dma_wait3A_54 = arith.constant 0 : i32
        %dma_wait3A_55 = tpu.memref_slice %arg6[%dma_wait3A_53, %dma_wait3A_54] : memref<10000x128xf32, #tpu.memory_space<vmem_shared>> -> memref<10000x128xf32, #tpu.memory_space<vmem_shared>>
        tpu.wait_indirect_dma semaphore(%run_scoped3A : memref<!tpu.dma_semaphore, #tpu.memory_space<semaphore_mem>>) src(%arg7 : memref<128x128xf32, #tpu.memory_space<vmem>>) dst(%dma_wait3A_55 : memref<10000x128xf32, #tpu.memory_space<vmem_shared>>)
        tpu.yield
      }) : () -> ()
      %dma_wait3A_47 = arith.constant 0 : i32
      %dma_wait3A_48 = arith.constant 0 : i32
      %dma_wait3A_49 = tpu.memref_slice %arg2[%dma_wait3A_47, %dma_wait3A_48] : memref<10000x128xf32, #tpu.memory_space<hbm>> -> memref<10000x128xf32, #tpu.memory_space<hbm>>
      tpu.wait_indirect_dma semaphore(%arg17 : memref<!tpu.dma_semaphore, #tpu.memory_space<semaphore_mem>>) src(%dma_wait3A_49 : memref<10000x128xf32, #tpu.memory_space<hbm>>) dst(%arg8 : memref<128x128xf32, #tpu.memory_space<vmem>>)
      "tpu.region"() ({
        %run_scoped3A = tpu.sem_alloc : memref<!tpu.dma_semaphore, #tpu.memory_space<semaphore_mem>>
        %dma_start3A_50 = arith.constant 0 : i32
        %dma_start3A_51 = arith.constant 0 : i32
        %dma_start3A_52 = tpu.memref_slice %arg6[%dma_start3A_50, %dma_start3A_51] : memref<10000x128xf32, #tpu.memory_space<vmem_shared>> -> memref<10000x128xf32, #tpu.memory_space<vmem_shared>>
        tpu.enqueue_indirect_dma source(%arg8 : memref<128x128xf32, #tpu.memory_space<vmem>>) target(%dma_start3A_52 : memref<10000x128xf32, #tpu.memory_space<vmem_shared>>) offsets(%arg12 : memref<128xi32, #tpu.memory_space<vmem>>) semaphore(%run_scoped3A : memref<!tpu.dma_semaphore, #tpu.memory_space<semaphore_mem>>) {add = true}
        %dma_wait3A_53 = arith.constant 0 : i32
        %dma_wait3A_54 = arith.constant 0 : i32
        %dma_wait3A_55 = tpu.memref_slice %arg6[%dma_wait3A_53, %dma_wait3A_54] : memref<10000x128xf32, #tpu.memory_space<vmem_shared>> -> memref<10000x128xf32, #tpu.memory_space<vmem_shared>>
        tpu.wait_indirect_dma semaphore(%run_scoped3A : memref<!tpu.dma_semaphore, #tpu.memory_space<semaphore_mem>>) src(%arg8 : memref<128x128xf32, #tpu.memory_space<vmem>>) dst(%dma_wait3A_55 : memref<10000x128xf32, #tpu.memory_space<vmem_shared>>)
        tpu.yield
      }) : () -> ()
    }
    %scan3A_13 = arith.constant 39 : i32
    %add3A_14 = arith.constant 9984 : i32
    %add3A_15 = arith.addi %mul3A_8, %add3A_14 : i32
    "tpu.region"() ({
      %run_scoped3A = tpu.sem_alloc : memref<!tpu.dma_semaphore, #tpu.memory_space<semaphore_mem>>
      %dma_start3A_30 = tpu.memref_slice %arg3[%add3A_15] : memref<320000xi32, #tpu.memory_space<hbm>> -> memref<16xi32, #tpu.memory_space<hbm>>
      %dma_start3A_31 = tpu.memref_slice %arg3[%add3A_15] : memref<320000xi32, #tpu.memory_space<hbm>> -> memref<16xi32, #tpu.memory_space<hbm>>
      tpu.enqueue_dma source(%dma_start3A_31 : memref<16xi32, #tpu.memory_space<hbm>>) target(%arg14 : memref<16xi32, #tpu.memory_space<vmem>>) target_semaphore(%run_scoped3A : memref<!tpu.dma_semaphore, #tpu.memory_space<semaphore_mem>>)
      %dma_wait3A_32 = tpu.memref_slice %arg3[%add3A_15] : memref<320000xi32, #tpu.memory_space<hbm>> -> memref<16xi32, #tpu.memory_space<hbm>>
      %dma_wait3A_33 = tpu.memref_slice %arg3[%add3A_15] : memref<320000xi32, #tpu.memory_space<hbm>> -> memref<16xi32, #tpu.memory_space<hbm>>
      tpu.wait_dma2 semaphore(%run_scoped3A : memref<!tpu.dma_semaphore, #tpu.memory_space<semaphore_mem>>) src(%dma_wait3A_33 : memref<16xi32, #tpu.memory_space<hbm>>) dst(%arg14 : memref<16xi32, #tpu.memory_space<vmem>>)
      tpu.yield
    }) : () -> ()
    "tpu.region"() ({
      %run_scoped3A = tpu.sem_alloc : memref<!tpu.dma_semaphore, #tpu.memory_space<semaphore_mem>>
      %dma_start3A_30 = tpu.memref_slice %arg4[%add3A_15] : memref<320000xi32, #tpu.memory_space<hbm>> -> memref<16xi32, #tpu.memory_space<hbm>>
      %dma_start3A_31 = tpu.memref_slice %arg4[%add3A_15] : memref<320000xi32, #tpu.memory_space<hbm>> -> memref<16xi32, #tpu.memory_space<hbm>>
      tpu.enqueue_dma source(%dma_start3A_31 : memref<16xi32, #tpu.memory_space<hbm>>) target(%arg15 : memref<16xi32, #tpu.memory_space<vmem>>) target_semaphore(%run_scoped3A : memref<!tpu.dma_semaphore, #tpu.memory_space<semaphore_mem>>)
      %dma_wait3A_32 = tpu.memref_slice %arg4[%add3A_15] : memref<320000xi32, #tpu.memory_space<hbm>> -> memref<16xi32, #tpu.memory_space<hbm>>
      %dma_wait3A_33 = tpu.memref_slice %arg4[%add3A_15] : memref<320000xi32, #tpu.memory_space<hbm>> -> memref<16xi32, #tpu.memory_space<hbm>>
      tpu.wait_dma2 semaphore(%run_scoped3A : memref<!tpu.dma_semaphore, #tpu.memory_space<semaphore_mem>>) src(%dma_wait3A_33 : memref<16xi32, #tpu.memory_space<hbm>>) dst(%arg15 : memref<16xi32, #tpu.memory_space<vmem>>)
      tpu.yield
    }) : () -> ()
    %dma_start3A = arith.constant 0 : i32
    %dma_start3A_16 = arith.constant 0 : i32
    %dma_start3A_17 = tpu.memref_slice %arg2[%dma_start3A, %dma_start3A_16] : memref<10000x128xf32, #tpu.memory_space<hbm>> -> memref<10000x128xf32, #tpu.memory_space<hbm>>
    tpu.enqueue_indirect_dma source(%dma_start3A_17 : memref<10000x128xf32, #tpu.memory_space<hbm>>) target(%arg13 : memref<16x128xf32, #tpu.memory_space<vmem>>) offsets(%arg14 : memref<16xi32, #tpu.memory_space<vmem>>) semaphore(%arg16 : memref<!tpu.dma_semaphore, #tpu.memory_space<semaphore_mem>>)
    %dma_wait3A = arith.constant 0 : i32
    %dma_wait3A_18 = arith.constant 0 : i32
    %dma_wait3A_19 = tpu.memref_slice %arg2[%dma_wait3A, %dma_wait3A_18] : memref<10000x128xf32, #tpu.memory_space<hbm>> -> memref<10000x128xf32, #tpu.memory_space<hbm>>
    tpu.wait_indirect_dma semaphore(%arg16 : memref<!tpu.dma_semaphore, #tpu.memory_space<semaphore_mem>>) src(%dma_wait3A_19 : memref<10000x128xf32, #tpu.memory_space<hbm>>) dst(%arg13 : memref<16x128xf32, #tpu.memory_space<vmem>>)
    "tpu.region"() ({
      %run_scoped3A = tpu.sem_alloc : memref<!tpu.dma_semaphore, #tpu.memory_space<semaphore_mem>>
      %dma_start3A_30 = arith.constant 0 : i32
      %dma_start3A_31 = arith.constant 0 : i32
      %dma_start3A_32 = tpu.memref_slice %arg6[%dma_start3A_30, %dma_start3A_31] : memref<10000x128xf32, #tpu.memory_space<vmem_shared>> -> memref<10000x128xf32, #tpu.memory_space<vmem_shared>>
      tpu.enqueue_indirect_dma source(%arg13 : memref<16x128xf32, #tpu.memory_space<vmem>>) target(%dma_start3A_32 : memref<10000x128xf32, #tpu.memory_space<vmem_shared>>) offsets(%arg15 : memref<16xi32, #tpu.memory_space<vmem>>) semaphore(%run_scoped3A : memref<!tpu.dma_semaphore, #tpu.memory_space<semaphore_mem>>) {add = true}
      %dma_wait3A_33 = arith.constant 0 : i32
      %dma_wait3A_34 = arith.constant 0 : i32
      %dma_wait3A_35 = tpu.memref_slice %arg6[%dma_wait3A_33, %dma_wait3A_34] : memref<10000x128xf32, #tpu.memory_space<vmem_shared>> -> memref<10000x128xf32, #tpu.memory_space<vmem_shared>>
      tpu.wait_indirect_dma semaphore(%run_scoped3A : memref<!tpu.dma_semaphore, #tpu.memory_space<semaphore_mem>>) src(%arg13 : memref<16x128xf32, #tpu.memory_space<vmem>>) dst(%dma_wait3A_35 : memref<10000x128xf32, #tpu.memory_space<vmem_shared>>)
      tpu.yield
    }) : () -> ()
    %barrier3A_20 = arith.constant 0 : index
    tpu.barrier barrier_id(%barrier3A_20)
    %mul3A_21 = arith.constant 624 : i32
    %mul3A_22 = arith.muli %arg1, %mul3A_21 : i32
    %mul3A_23 = arith.constant 624 : i32
    %mul3A_24 = arith.muli %arg1, %mul3A_23 : i32
    "tpu.region"() ({
      %run_scoped3A = tpu.sem_alloc : memref<!tpu.dma_semaphore, #tpu.memory_space<semaphore_mem>>
      %dma_start3A_30 = arith.constant 0 : i32
      %dma_start3A_31 = tpu.memref_slice %arg5[%arg0, %mul3A_24, %dma_start3A_30] : memref<2x10000x128xf32, #tpu.memory_space<hbm>> -> memref<1x624x128xf32, #tpu.memory_space<hbm>>
      %dma_start3A_32 = tpu.memref_squeeze %dma_start3A_31 : memref<1x624x128xf32, #tpu.memory_space<hbm>> -> memref<624x128xf32, #tpu.memory_space<hbm>>
      %dma_start3A_33 = arith.constant 0 : i32
      %dma_start3A_34 = tpu.memref_slice %arg6[%mul3A_22, %dma_start3A_33] : memref<10000x128xf32, #tpu.memory_space<vmem_shared>> -> memref<624x128xf32, #tpu.memory_space<vmem_shared>>
      tpu.enqueue_dma source(%dma_start3A_34 : memref<624x128xf32, #tpu.memory_space<vmem_shared>>) target(%dma_start3A_32 : memref<624x128xf32, #tpu.memory_space<hbm>>) target_semaphore(%run_scoped3A : memref<!tpu.dma_semaphore, #tpu.memory_space<semaphore_mem>>)
      %dma_wait3A_35 = arith.constant 0 : i32
      %dma_wait3A_36 = tpu.memref_slice %arg5[%arg0, %mul3A_24, %dma_wait3A_35] : memref<2x10000x128xf32, #tpu.memory_space<hbm>> -> memref<1x624x128xf32, #tpu.memory_space<hbm>>
      %dma_wait3A_37 = tpu.memref_squeeze %dma_wait3A_36 : memref<1x624x128xf32, #tpu.memory_space<hbm>> -> memref<624x128xf32, #tpu.memory_space<hbm>>
      %dma_wait3A_38 = arith.constant 0 : i32
      %dma_wait3A_39 = tpu.memref_slice %arg6[%mul3A_22, %dma_wait3A_38] : memref<10000x128xf32, #tpu.memory_space<vmem_shared>> -> memref<624x128xf32, #tpu.memory_space<vmem_shared>>
      tpu.wait_dma2 semaphore(%run_scoped3A : memref<!tpu.dma_semaphore, #tpu.memory_space<semaphore_mem>>) src(%dma_wait3A_39 : memref<624x128xf32, #tpu.memory_space<vmem_shared>>) dst(%dma_wait3A_37 : memref<624x128xf32, #tpu.memory_space<hbm>>)
      tpu.yield
    }) : () -> ()
    %eq3A_25 = arith.constant 0 : i32
    %eq3A_26 = arith.cmpi eq, %arg1, %eq3A_25 : i32
    %convert_element_type3A_27 = arith.extui %eq3A_26 : i1 to i32
    %cond3A_28 = arith.constant 0 : i32
    %cond3A_29 = arith.cmpi ne, %convert_element_type3A_27, %cond3A_28 : i32
    scf.if %cond3A_29 {
      "tpu.region"() ({
        %run_scoped3A = tpu.sem_alloc : memref<!tpu.dma_semaphore, #tpu.memory_space<semaphore_mem>>
        %dma_start3A_30 = arith.constant 9984 : i32
        %dma_start3A_31 = arith.constant 0 : i32
        %dma_start3A_32 = tpu.memref_slice %arg5[%arg0, %dma_start3A_30, %dma_start3A_31] : memref<2x10000x128xf32, #tpu.memory_space<hbm>> -> memref<1x16x128xf32, #tpu.memory_space<hbm>>
        %dma_start3A_33 = tpu.memref_squeeze %dma_start3A_32 : memref<1x16x128xf32, #tpu.memory_space<hbm>> -> memref<16x128xf32, #tpu.memory_space<hbm>>
        %dma_start3A_34 = arith.constant 9984 : i32
        %dma_start3A_35 = arith.constant 0 : i32
        %dma_start3A_36 = tpu.memref_slice %arg6[%dma_start3A_34, %dma_start3A_35] : memref<10000x128xf32, #tpu.memory_space<vmem_shared>> -> memref<16x128xf32, #tpu.memory_space<vmem_shared>>
        tpu.enqueue_dma source(%dma_start3A_36 : memref<16x128xf32, #tpu.memory_space<vmem_shared>>) target(%dma_start3A_33 : memref<16x128xf32, #tpu.memory_space<hbm>>) target_semaphore(%run_scoped3A : memref<!tpu.dma_semaphore, #tpu.memory_space<semaphore_mem>>)
        %dma_wait3A_37 = arith.constant 9984 : i32
        %dma_wait3A_38 = arith.constant 0 : i32
        %dma_wait3A_39 = tpu.memref_slice %arg5[%arg0, %dma_wait3A_37, %dma_wait3A_38] : memref<2x10000x128xf32, #tpu.memory_space<hbm>> -> memref<1x16x128xf32, #tpu.memory_space<hbm>>
        %dma_wait3A_40 = tpu.memref_squeeze %dma_wait3A_39 : memref<1x16x128xf32, #tpu.memory_space<hbm>> -> memref<16x128xf32, #tpu.memory_space<hbm>>
        %dma_wait3A_41 = arith.constant 9984 : i32
        %dma_wait3A_42 = arith.constant 0 : i32
        %dma_wait3A_43 = tpu.memref_slice %arg6[%dma_wait3A_41, %dma_wait3A_42] : memref<10000x128xf32, #tpu.memory_space<vmem_shared>> -> memref<16x128xf32, #tpu.memory_space<vmem_shared>>
        tpu.wait_dma2 semaphore(%run_scoped3A : memref<!tpu.dma_semaphore, #tpu.memory_space<semaphore_mem>>) src(%dma_wait3A_43 : memref<16x128xf32, #tpu.memory_space<vmem_shared>>) dst(%dma_wait3A_40 : memref<16x128xf32, #tpu.memory_space<hbm>>)
        tpu.yield
      }) : () -> ()
    } else {
    }
    return
  }
}

#map = affine_map<(d0, d1) -> (0, 0)>
#map1 = affine_map<(d0, d1) -> (0)>
#map2 = affine_map<(d0, d1) -> (0, 0, 0)>
module attributes {stable_mosaic.version = 14 : i64} {
  func.func @_agg(%arg0: i32, %arg1: i32, %arg2: memref<10000x128xf32, #tpu.memory_space<hbm>>, %arg3: memref<320000xi32, #tpu.memory_space<hbm>>, %arg4: memref<320000xi32, #tpu.memory_space<hbm>>, %arg5: memref<2x10000x128xf32, #tpu.memory_space<hbm>>, %arg6: memref<10000x128xf32, #tpu.memory_space<vmem_shared>>, %arg7: memref<128x128xf32, #tpu.memory_space<vmem>>, %arg8: memref<128x128xf32, #tpu.memory_space<vmem>>, %arg9: memref<128xi32, #tpu.memory_space<vmem>>, %arg10: memref<128xi32, #tpu.memory_space<vmem>>, %arg11: memref<128xi32, #tpu.memory_space<vmem>>, %arg12: memref<128xi32, #tpu.memory_space<vmem>>, %arg13: memref<16x128xf32, #tpu.memory_space<vmem>>, %arg14: memref<16xi32, #tpu.memory_space<vmem>>, %arg15: memref<16xi32, #tpu.memory_space<vmem>>, %arg16: memref<!tpu.dma_semaphore, #tpu.memory_space<semaphore_mem>>, %arg17: memref<!tpu.dma_semaphore, #tpu.memory_space<semaphore_mem>>) attributes {dimension_semantics = [#tpu.dimension_semantics<core_parallel>, #tpu.dimension_semantics<subcore_parallel>], iteration_bounds = array<i64: 2, 16>, scalar_prefetch = 0 : i64, scratch_operands = 12 : i64, tpu.core_type = #tpu.core_type<sc_vector_subcore>, window_params = [{transform_indices = #map}, {transform_indices = #map1}, {transform_indices = #map1}, {transform_indices = #map2}]} {
    %mul3A = arith.constant 16 : i32
    %mul3A_0 = arith.muli %arg0, %mul3A : i32
    %add3A = arith.addi %mul3A_0, %arg1 : i32
    %mul3A_1 = arith.constant 624 : i32
    %mul3A_2 = arith.muli %arg1, %mul3A_1 : i32
    %mul3A_3 = arith.constant 624 : i32
    %mul3A_4 = arith.muli %arg1, %mul3A_3 : i32
    "tpu.region"() ({
      %run_scoped3A = tpu.sem_alloc : memref<!tpu.dma_semaphore, #tpu.memory_space<semaphore_mem>>
      %dma_start3A_30 = arith.constant 0 : i32
      %dma_start3A_31 = tpu.memref_slice %arg6[%mul3A_4, %dma_start3A_30] : memref<10000x128xf32, #tpu.memory_space<vmem_shared>> -> memref<624x128xf32, #tpu.memory_space<vmem_shared>>
      %dma_start3A_32 = arith.constant 0 : i32
      %dma_start3A_33 = tpu.memref_slice %arg2[%mul3A_2, %dma_start3A_32] : memref<10000x128xf32, #tpu.memory_space<hbm>> -> memref<624x128xf32, #tpu.memory_space<hbm>>
      tpu.enqueue_dma source(%dma_start3A_33 : memref<624x128xf32, #tpu.memory_space<hbm>>) target(%dma_start3A_31 : memref<624x128xf32, #tpu.memory_space<vmem_shared>>) target_semaphore(%run_scoped3A : memref<!tpu.dma_semaphore, #tpu.memory_space<semaphore_mem>>)
      %dma_wait3A_34 = arith.constant 0 : i32
      %dma_wait3A_35 = tpu.memref_slice %arg6[%mul3A_4, %dma_wait3A_34] : memref<10000x128xf32, #tpu.memory_space<vmem_shared>> -> memref<624x128xf32, #tpu.memory_space<vmem_shared>>
      %dma_wait3A_36 = arith.constant 0 : i32
      %dma_wait3A_37 = tpu.memref_slice %arg2[%mul3A_2, %dma_wait3A_36] : memref<10000x128xf32, #tpu.memory_space<hbm>> -> memref<624x128xf32, #tpu.memory_space<hbm>>
      tpu.wait_dma2 semaphore(%run_scoped3A : memref<!tpu.dma_semaphore, #tpu.memory_space<semaphore_mem>>) src(%dma_wait3A_37 : memref<624x128xf32, #tpu.memory_space<hbm>>) dst(%dma_wait3A_35 : memref<624x128xf32, #tpu.memory_space<vmem_shared>>)
      tpu.yield
    }) : () -> ()
    %eq3A = arith.constant 0 : i32
    %eq3A_5 = arith.cmpi eq, %arg1, %eq3A : i32
    %convert_element_type3A = arith.extui %eq3A_5 : i1 to i32
    %cond3A = arith.constant 0 : i32
    %cond3A_6 = arith.cmpi ne, %convert_element_type3A, %cond3A : i32
    scf.if %cond3A_6 {
      "tpu.region"() ({
        %run_scoped3A = tpu.sem_alloc : memref<!tpu.dma_semaphore, #tpu.memory_space<semaphore_mem>>
        %dma_start3A_30 = arith.constant 9984 : i32
        %dma_start3A_31 = arith.constant 0 : i32
        %dma_start3A_32 = tpu.memref_slice %arg6[%dma_start3A_30, %dma_start3A_31] : memref<10000x128xf32, #tpu.memory_space<vmem_shared>> -> memref<16x128xf32, #tpu.memory_space<vmem_shared>>
        %dma_start3A_33 = arith.constant 9984 : i32
        %dma_start3A_34 = arith.constant 0 : i32
        %dma_start3A_35 = tpu.memref_slice %arg2[%dma_start3A_33, %dma_start3A_34] : memref<10000x128xf32, #tpu.memory_space<hbm>> -> memref<16x128xf32, #tpu.memory_space<hbm>>
        tpu.enqueue_dma source(%dma_start3A_35 : memref<16x128xf32, #tpu.memory_space<hbm>>) target(%dma_start3A_32 : memref<16x128xf32, #tpu.memory_space<vmem_shared>>) target_semaphore(%run_scoped3A : memref<!tpu.dma_semaphore, #tpu.memory_space<semaphore_mem>>)
        %dma_wait3A_36 = arith.constant 9984 : i32
        %dma_wait3A_37 = arith.constant 0 : i32
        %dma_wait3A_38 = tpu.memref_slice %arg6[%dma_wait3A_36, %dma_wait3A_37] : memref<10000x128xf32, #tpu.memory_space<vmem_shared>> -> memref<16x128xf32, #tpu.memory_space<vmem_shared>>
        %dma_wait3A_39 = arith.constant 9984 : i32
        %dma_wait3A_40 = arith.constant 0 : i32
        %dma_wait3A_41 = tpu.memref_slice %arg2[%dma_wait3A_39, %dma_wait3A_40] : memref<10000x128xf32, #tpu.memory_space<hbm>> -> memref<16x128xf32, #tpu.memory_space<hbm>>
        tpu.wait_dma2 semaphore(%run_scoped3A : memref<!tpu.dma_semaphore, #tpu.memory_space<semaphore_mem>>) src(%dma_wait3A_41 : memref<16x128xf32, #tpu.memory_space<hbm>>) dst(%dma_wait3A_38 : memref<16x128xf32, #tpu.memory_space<vmem_shared>>)
        tpu.yield
      }) : () -> ()
    } else {
    }
    %barrier3A = arith.constant 0 : index
    tpu.barrier barrier_id(%barrier3A)
    %mul3A_7 = arith.constant 10000 : i32
    %mul3A_8 = arith.muli %add3A, %mul3A_7 : i32
    %scan3A = arith.constant 0 : i32
    %scan3A_9 = arith.constant 0 : i32
    %scan3A_10 = arith.constant 39 : i32
    %scan3A_11 = arith.addi %scan3A_9, %scan3A_10 : i32
    %scan3A_12 = arith.constant 1 : i32
    scf.for %scan3A_30 = %scan3A_9 to %scan3A_11 step %scan3A_12  : i32 {
      %mul3A_31 = arith.constant 2 : i32
      %mul3A_32 = arith.muli %mul3A_31, %scan3A_30 : i32
      %mul3A_33 = arith.constant 128 : i32
      %mul3A_34 = arith.muli %mul3A_32, %mul3A_33 : i32
      %add3A_35 = arith.addi %mul3A_8, %mul3A_34 : i32
      %add3A_36 = arith.constant 128 : i32
      %add3A_37 = arith.addi %add3A_35, %add3A_36 : i32
      "tpu.region"() ({
        %run_scoped3A = tpu.sem_alloc : memref<!tpu.dma_semaphore, #tpu.memory_space<semaphore_mem>>
        %dma_start3A_50 = tpu.memref_slice %arg3[%add3A_35] : memref<320000xi32, #tpu.memory_space<hbm>> -> memref<128xi32, #tpu.memory_space<hbm>>
        %dma_start3A_51 = tpu.memref_slice %arg3[%add3A_35] : memref<320000xi32, #tpu.memory_space<hbm>> -> memref<128xi32, #tpu.memory_space<hbm>>
        tpu.enqueue_dma source(%dma_start3A_51 : memref<128xi32, #tpu.memory_space<hbm>>) target(%arg9 : memref<128xi32, #tpu.memory_space<vmem>>) target_semaphore(%run_scoped3A : memref<!tpu.dma_semaphore, #tpu.memory_space<semaphore_mem>>)
        %dma_wait3A_52 = tpu.memref_slice %arg3[%add3A_35] : memref<320000xi32, #tpu.memory_space<hbm>> -> memref<128xi32, #tpu.memory_space<hbm>>
        %dma_wait3A_53 = tpu.memref_slice %arg3[%add3A_35] : memref<320000xi32, #tpu.memory_space<hbm>> -> memref<128xi32, #tpu.memory_space<hbm>>
        tpu.wait_dma2 semaphore(%run_scoped3A : memref<!tpu.dma_semaphore, #tpu.memory_space<semaphore_mem>>) src(%dma_wait3A_53 : memref<128xi32, #tpu.memory_space<hbm>>) dst(%arg9 : memref<128xi32, #tpu.memory_space<vmem>>)
        tpu.yield
      }) : () -> ()
      "tpu.region"() ({
        %run_scoped3A = tpu.sem_alloc : memref<!tpu.dma_semaphore, #tpu.memory_space<semaphore_mem>>
        %dma_start3A_50 = tpu.memref_slice %arg4[%add3A_35] : memref<320000xi32, #tpu.memory_space<hbm>> -> memref<128xi32, #tpu.memory_space<hbm>>
        %dma_start3A_51 = tpu.memref_slice %arg4[%add3A_35] : memref<320000xi32, #tpu.memory_space<hbm>> -> memref<128xi32, #tpu.memory_space<hbm>>
        tpu.enqueue_dma source(%dma_start3A_51 : memref<128xi32, #tpu.memory_space<hbm>>) target(%arg10 : memref<128xi32, #tpu.memory_space<vmem>>) target_semaphore(%run_scoped3A : memref<!tpu.dma_semaphore, #tpu.memory_space<semaphore_mem>>)
        %dma_wait3A_52 = tpu.memref_slice %arg4[%add3A_35] : memref<320000xi32, #tpu.memory_space<hbm>> -> memref<128xi32, #tpu.memory_space<hbm>>
        %dma_wait3A_53 = tpu.memref_slice %arg4[%add3A_35] : memref<320000xi32, #tpu.memory_space<hbm>> -> memref<128xi32, #tpu.memory_space<hbm>>
        tpu.wait_dma2 semaphore(%run_scoped3A : memref<!tpu.dma_semaphore, #tpu.memory_space<semaphore_mem>>) src(%dma_wait3A_53 : memref<128xi32, #tpu.memory_space<hbm>>) dst(%arg10 : memref<128xi32, #tpu.memory_space<vmem>>)
        tpu.yield
      }) : () -> ()
      %dma_start3A_38 = arith.constant 0 : i32
      %dma_start3A_39 = arith.constant 0 : i32
      %dma_start3A_40 = tpu.memref_slice %arg2[%dma_start3A_38, %dma_start3A_39] : memref<10000x128xf32, #tpu.memory_space<hbm>> -> memref<10000x128xf32, #tpu.memory_space<hbm>>
      tpu.enqueue_indirect_dma source(%dma_start3A_40 : memref<10000x128xf32, #tpu.memory_space<hbm>>) target(%arg7 : memref<128x128xf32, #tpu.memory_space<vmem>>) offsets(%arg9 : memref<128xi32, #tpu.memory_space<vmem>>) semaphore(%arg16 : memref<!tpu.dma_semaphore, #tpu.memory_space<semaphore_mem>>)
      "tpu.region"() ({
        %run_scoped3A = tpu.sem_alloc : memref<!tpu.dma_semaphore, #tpu.memory_space<semaphore_mem>>
        %dma_start3A_50 = tpu.memref_slice %arg3[%add3A_37] : memref<320000xi32, #tpu.memory_space<hbm>> -> memref<128xi32, #tpu.memory_space<hbm>>
        %dma_start3A_51 = tpu.memref_slice %arg3[%add3A_37] : memref<320000xi32, #tpu.memory_space<hbm>> -> memref<128xi32, #tpu.memory_space<hbm>>
        tpu.enqueue_dma source(%dma_start3A_51 : memref<128xi32, #tpu.memory_space<hbm>>) target(%arg11 : memref<128xi32, #tpu.memory_space<vmem>>) target_semaphore(%run_scoped3A : memref<!tpu.dma_semaphore, #tpu.memory_space<semaphore_mem>>)
        %dma_wait3A_52 = tpu.memref_slice %arg3[%add3A_37] : memref<320000xi32, #tpu.memory_space<hbm>> -> memref<128xi32, #tpu.memory_space<hbm>>
        %dma_wait3A_53 = tpu.memref_slice %arg3[%add3A_37] : memref<320000xi32, #tpu.memory_space<hbm>> -> memref<128xi32, #tpu.memory_space<hbm>>
        tpu.wait_dma2 semaphore(%run_scoped3A : memref<!tpu.dma_semaphore, #tpu.memory_space<semaphore_mem>>) src(%dma_wait3A_53 : memref<128xi32, #tpu.memory_space<hbm>>) dst(%arg11 : memref<128xi32, #tpu.memory_space<vmem>>)
        tpu.yield
      }) : () -> ()
      "tpu.region"() ({
        %run_scoped3A = tpu.sem_alloc : memref<!tpu.dma_semaphore, #tpu.memory_space<semaphore_mem>>
        %dma_start3A_50 = tpu.memref_slice %arg4[%add3A_37] : memref<320000xi32, #tpu.memory_space<hbm>> -> memref<128xi32, #tpu.memory_space<hbm>>
        %dma_start3A_51 = tpu.memref_slice %arg4[%add3A_37] : memref<320000xi32, #tpu.memory_space<hbm>> -> memref<128xi32, #tpu.memory_space<hbm>>
        tpu.enqueue_dma source(%dma_start3A_51 : memref<128xi32, #tpu.memory_space<hbm>>) target(%arg12 : memref<128xi32, #tpu.memory_space<vmem>>) target_semaphore(%run_scoped3A : memref<!tpu.dma_semaphore, #tpu.memory_space<semaphore_mem>>)
        %dma_wait3A_52 = tpu.memref_slice %arg4[%add3A_37] : memref<320000xi32, #tpu.memory_space<hbm>> -> memref<128xi32, #tpu.memory_space<hbm>>
        %dma_wait3A_53 = tpu.memref_slice %arg4[%add3A_37] : memref<320000xi32, #tpu.memory_space<hbm>> -> memref<128xi32, #tpu.memory_space<hbm>>
        tpu.wait_dma2 semaphore(%run_scoped3A : memref<!tpu.dma_semaphore, #tpu.memory_space<semaphore_mem>>) src(%dma_wait3A_53 : memref<128xi32, #tpu.memory_space<hbm>>) dst(%arg12 : memref<128xi32, #tpu.memory_space<vmem>>)
        tpu.yield
      }) : () -> ()
      %dma_start3A_41 = arith.constant 0 : i32
      %dma_start3A_42 = arith.constant 0 : i32
      %dma_start3A_43 = tpu.memref_slice %arg2[%dma_start3A_41, %dma_start3A_42] : memref<10000x128xf32, #tpu.memory_space<hbm>> -> memref<10000x128xf32, #tpu.memory_space<hbm>>
      tpu.enqueue_indirect_dma source(%dma_start3A_43 : memref<10000x128xf32, #tpu.memory_space<hbm>>) target(%arg8 : memref<128x128xf32, #tpu.memory_space<vmem>>) offsets(%arg11 : memref<128xi32, #tpu.memory_space<vmem>>) semaphore(%arg17 : memref<!tpu.dma_semaphore, #tpu.memory_space<semaphore_mem>>)
      %dma_wait3A_44 = arith.constant 0 : i32
      %dma_wait3A_45 = arith.constant 0 : i32
      %dma_wait3A_46 = tpu.memref_slice %arg2[%dma_wait3A_44, %dma_wait3A_45] : memref<10000x128xf32, #tpu.memory_space<hbm>> -> memref<10000x128xf32, #tpu.memory_space<hbm>>
      tpu.wait_indirect_dma semaphore(%arg16 : memref<!tpu.dma_semaphore, #tpu.memory_space<semaphore_mem>>) src(%dma_wait3A_46 : memref<10000x128xf32, #tpu.memory_space<hbm>>) dst(%arg7 : memref<128x128xf32, #tpu.memory_space<vmem>>)
      "tpu.region"() ({
        %run_scoped3A = tpu.sem_alloc : memref<!tpu.dma_semaphore, #tpu.memory_space<semaphore_mem>>
        %dma_start3A_50 = arith.constant 0 : i32
        %dma_start3A_51 = arith.constant 0 : i32
        %dma_start3A_52 = tpu.memref_slice %arg6[%dma_start3A_50, %dma_start3A_51] : memref<10000x128xf32, #tpu.memory_space<vmem_shared>> -> memref<10000x128xf32, #tpu.memory_space<vmem_shared>>
        tpu.enqueue_indirect_dma source(%arg7 : memref<128x128xf32, #tpu.memory_space<vmem>>) target(%dma_start3A_52 : memref<10000x128xf32, #tpu.memory_space<vmem_shared>>) offsets(%arg10 : memref<128xi32, #tpu.memory_space<vmem>>) semaphore(%run_scoped3A : memref<!tpu.dma_semaphore, #tpu.memory_space<semaphore_mem>>) {add = true}
        %dma_wait3A_53 = arith.constant 0 : i32
        %dma_wait3A_54 = arith.constant 0 : i32
        %dma_wait3A_55 = tpu.memref_slice %arg6[%dma_wait3A_53, %dma_wait3A_54] : memref<10000x128xf32, #tpu.memory_space<vmem_shared>> -> memref<10000x128xf32, #tpu.memory_space<vmem_shared>>
        tpu.wait_indirect_dma semaphore(%run_scoped3A : memref<!tpu.dma_semaphore, #tpu.memory_space<semaphore_mem>>) src(%arg7 : memref<128x128xf32, #tpu.memory_space<vmem>>) dst(%dma_wait3A_55 : memref<10000x128xf32, #tpu.memory_space<vmem_shared>>)
        tpu.yield
      }) : () -> ()
      %dma_wait3A_47 = arith.constant 0 : i32
      %dma_wait3A_48 = arith.constant 0 : i32
      %dma_wait3A_49 = tpu.memref_slice %arg2[%dma_wait3A_47, %dma_wait3A_48] : memref<10000x128xf32, #tpu.memory_space<hbm>> -> memref<10000x128xf32, #tpu.memory_space<hbm>>
      tpu.wait_indirect_dma semaphore(%arg17 : memref<!tpu.dma_semaphore, #tpu.memory_space<semaphore_mem>>) src(%dma_wait3A_49 : memref<10000x128xf32, #tpu.memory_space<hbm>>) dst(%arg8 : memref<128x128xf32, #tpu.memory_space<vmem>>)
      "tpu.region"() ({
        %run_scoped3A = tpu.sem_alloc : memref<!tpu.dma_semaphore, #tpu.memory_space<semaphore_mem>>
        %dma_start3A_50 = arith.constant 0 : i32
        %dma_start3A_51 = arith.constant 0 : i32
        %dma_start3A_52 = tpu.memref_slice %arg6[%dma_start3A_50, %dma_start3A_51] : memref<10000x128xf32, #tpu.memory_space<vmem_shared>> -> memref<10000x128xf32, #tpu.memory_space<vmem_shared>>
        tpu.enqueue_indirect_dma source(%arg8 : memref<128x128xf32, #tpu.memory_space<vmem>>) target(%dma_start3A_52 : memref<10000x128xf32, #tpu.memory_space<vmem_shared>>) offsets(%arg12 : memref<128xi32, #tpu.memory_space<vmem>>) semaphore(%run_scoped3A : memref<!tpu.dma_semaphore, #tpu.memory_space<semaphore_mem>>) {add = true}
        %dma_wait3A_53 = arith.constant 0 : i32
        %dma_wait3A_54 = arith.constant 0 : i32
        %dma_wait3A_55 = tpu.memref_slice %arg6[%dma_wait3A_53, %dma_wait3A_54] : memref<10000x128xf32, #tpu.memory_space<vmem_shared>> -> memref<10000x128xf32, #tpu.memory_space<vmem_shared>>
        tpu.wait_indirect_dma semaphore(%run_scoped3A : memref<!tpu.dma_semaphore, #tpu.memory_space<semaphore_mem>>) src(%arg8 : memref<128x128xf32, #tpu.memory_space<vmem>>) dst(%dma_wait3A_55 : memref<10000x128xf32, #tpu.memory_space<vmem_shared>>)
        tpu.yield
      }) : () -> ()
    }
    %scan3A_13 = arith.constant 39 : i32
    %add3A_14 = arith.constant 9984 : i32
    %add3A_15 = arith.addi %mul3A_8, %add3A_14 : i32
    "tpu.region"() ({
      %run_scoped3A = tpu.sem_alloc : memref<!tpu.dma_semaphore, #tpu.memory_space<semaphore_mem>>
      %dma_start3A_30 = tpu.memref_slice %arg3[%add3A_15] : memref<320000xi32, #tpu.memory_space<hbm>> -> memref<16xi32, #tpu.memory_space<hbm>>
      %dma_start3A_31 = tpu.memref_slice %arg3[%add3A_15] : memref<320000xi32, #tpu.memory_space<hbm>> -> memref<16xi32, #tpu.memory_space<hbm>>
      tpu.enqueue_dma source(%dma_start3A_31 : memref<16xi32, #tpu.memory_space<hbm>>) target(%arg14 : memref<16xi32, #tpu.memory_space<vmem>>) target_semaphore(%run_scoped3A : memref<!tpu.dma_semaphore, #tpu.memory_space<semaphore_mem>>)
      %dma_wait3A_32 = tpu.memref_slice %arg3[%add3A_15] : memref<320000xi32, #tpu.memory_space<hbm>> -> memref<16xi32, #tpu.memory_space<hbm>>
      %dma_wait3A_33 = tpu.memref_slice %arg3[%add3A_15] : memref<320000xi32, #tpu.memory_space<hbm>> -> memref<16xi32, #tpu.memory_space<hbm>>
      tpu.wait_dma2 semaphore(%run_scoped3A : memref<!tpu.dma_semaphore, #tpu.memory_space<semaphore_mem>>) src(%dma_wait3A_33 : memref<16xi32, #tpu.memory_space<hbm>>) dst(%arg14 : memref<16xi32, #tpu.memory_space<vmem>>)
      tpu.yield
    }) : () -> ()
    "tpu.region"() ({
      %run_scoped3A = tpu.sem_alloc : memref<!tpu.dma_semaphore, #tpu.memory_space<semaphore_mem>>
      %dma_start3A_30 = tpu.memref_slice %arg4[%add3A_15] : memref<320000xi32, #tpu.memory_space<hbm>> -> memref<16xi32, #tpu.memory_space<hbm>>
      %dma_start3A_31 = tpu.memref_slice %arg4[%add3A_15] : memref<320000xi32, #tpu.memory_space<hbm>> -> memref<16xi32, #tpu.memory_space<hbm>>
      tpu.enqueue_dma source(%dma_start3A_31 : memref<16xi32, #tpu.memory_space<hbm>>) target(%arg15 : memref<16xi32, #tpu.memory_space<vmem>>) target_semaphore(%run_scoped3A : memref<!tpu.dma_semaphore, #tpu.memory_space<semaphore_mem>>)
      %dma_wait3A_32 = tpu.memref_slice %arg4[%add3A_15] : memref<320000xi32, #tpu.memory_space<hbm>> -> memref<16xi32, #tpu.memory_space<hbm>>
      %dma_wait3A_33 = tpu.memref_slice %arg4[%add3A_15] : memref<320000xi32, #tpu.memory_space<hbm>> -> memref<16xi32, #tpu.memory_space<hbm>>
      tpu.wait_dma2 semaphore(%run_scoped3A : memref<!tpu.dma_semaphore, #tpu.memory_space<semaphore_mem>>) src(%dma_wait3A_33 : memref<16xi32, #tpu.memory_space<hbm>>) dst(%arg15 : memref<16xi32, #tpu.memory_space<vmem>>)
      tpu.yield
    }) : () -> ()
    %dma_start3A = arith.constant 0 : i32
    %dma_start3A_16 = arith.constant 0 : i32
    %dma_start3A_17 = tpu.memref_slice %arg2[%dma_start3A, %dma_start3A_16] : memref<10000x128xf32, #tpu.memory_space<hbm>> -> memref<10000x128xf32, #tpu.memory_space<hbm>>
    tpu.enqueue_indirect_dma source(%dma_start3A_17 : memref<10000x128xf32, #tpu.memory_space<hbm>>) target(%arg13 : memref<16x128xf32, #tpu.memory_space<vmem>>) offsets(%arg14 : memref<16xi32, #tpu.memory_space<vmem>>) semaphore(%arg16 : memref<!tpu.dma_semaphore, #tpu.memory_space<semaphore_mem>>)
    %dma_wait3A = arith.constant 0 : i32
    %dma_wait3A_18 = arith.constant 0 : i32
    %dma_wait3A_19 = tpu.memref_slice %arg2[%dma_wait3A, %dma_wait3A_18] : memref<10000x128xf32, #tpu.memory_space<hbm>> -> memref<10000x128xf32, #tpu.memory_space<hbm>>
    tpu.wait_indirect_dma semaphore(%arg16 : memref<!tpu.dma_semaphore, #tpu.memory_space<semaphore_mem>>) src(%dma_wait3A_19 : memref<10000x128xf32, #tpu.memory_space<hbm>>) dst(%arg13 : memref<16x128xf32, #tpu.memory_space<vmem>>)
    "tpu.region"() ({
      %run_scoped3A = tpu.sem_alloc : memref<!tpu.dma_semaphore, #tpu.memory_space<semaphore_mem>>
      %dma_start3A_30 = arith.constant 0 : i32
      %dma_start3A_31 = arith.constant 0 : i32
      %dma_start3A_32 = tpu.memref_slice %arg6[%dma_start3A_30, %dma_start3A_31] : memref<10000x128xf32, #tpu.memory_space<vmem_shared>> -> memref<10000x128xf32, #tpu.memory_space<vmem_shared>>
      tpu.enqueue_indirect_dma source(%arg13 : memref<16x128xf32, #tpu.memory_space<vmem>>) target(%dma_start3A_32 : memref<10000x128xf32, #tpu.memory_space<vmem_shared>>) offsets(%arg15 : memref<16xi32, #tpu.memory_space<vmem>>) semaphore(%run_scoped3A : memref<!tpu.dma_semaphore, #tpu.memory_space<semaphore_mem>>) {add = true}
      %dma_wait3A_33 = arith.constant 0 : i32
      %dma_wait3A_34 = arith.constant 0 : i32
      %dma_wait3A_35 = tpu.memref_slice %arg6[%dma_wait3A_33, %dma_wait3A_34] : memref<10000x128xf32, #tpu.memory_space<vmem_shared>> -> memref<10000x128xf32, #tpu.memory_space<vmem_shared>>
      tpu.wait_indirect_dma semaphore(%run_scoped3A : memref<!tpu.dma_semaphore, #tpu.memory_space<semaphore_mem>>) src(%arg13 : memref<16x128xf32, #tpu.memory_space<vmem>>) dst(%dma_wait3A_35 : memref<10000x128xf32, #tpu.memory_space<vmem_shared>>)
      tpu.yield
    }) : () -> ()
    %barrier3A_20 = arith.constant 0 : index
    tpu.barrier barrier_id(%barrier3A_20)
    %mul3A_21 = arith.constant 624 : i32
    %mul3A_22 = arith.muli %arg1, %mul3A_21 : i32
    %mul3A_23 = arith.constant 624 : i32
    %mul3A_24 = arith.muli %arg1, %mul3A_23 : i32
    "tpu.region"() ({
      %run_scoped3A = tpu.sem_alloc : memref<!tpu.dma_semaphore, #tpu.memory_space<semaphore_mem>>
      %dma_start3A_30 = arith.constant 0 : i32
      %dma_start3A_31 = tpu.memref_slice %arg5[%arg0, %mul3A_24, %dma_start3A_30] : memref<2x10000x128xf32, #tpu.memory_space<hbm>> -> memref<1x624x128xf32, #tpu.memory_space<hbm>>
      %dma_start3A_32 = tpu.memref_squeeze %dma_start3A_31 : memref<1x624x128xf32, #tpu.memory_space<hbm>> -> memref<624x128xf32, #tpu.memory_space<hbm>>
      %dma_start3A_33 = arith.constant 0 : i32
      %dma_start3A_34 = tpu.memref_slice %arg6[%mul3A_22, %dma_start3A_33] : memref<10000x128xf32, #tpu.memory_space<vmem_shared>> -> memref<624x128xf32, #tpu.memory_space<vmem_shared>>
      tpu.enqueue_dma source(%dma_start3A_34 : memref<624x128xf32, #tpu.memory_space<vmem_shared>>) target(%dma_start3A_32 : memref<624x128xf32, #tpu.memory_space<hbm>>) target_semaphore(%run_scoped3A : memref<!tpu.dma_semaphore, #tpu.memory_space<semaphore_mem>>)
      %dma_wait3A_35 = arith.constant 0 : i32
      %dma_wait3A_36 = tpu.memref_slice %arg5[%arg0, %mul3A_24, %dma_wait3A_35] : memref<2x10000x128xf32, #tpu.memory_space<hbm>> -> memref<1x624x128xf32, #tpu.memory_space<hbm>>
      %dma_wait3A_37 = tpu.memref_squeeze %dma_wait3A_36 : memref<1x624x128xf32, #tpu.memory_space<hbm>> -> memref<624x128xf32, #tpu.memory_space<hbm>>
      %dma_wait3A_38 = arith.constant 0 : i32
      %dma_wait3A_39 = tpu.memref_slice %arg6[%mul3A_22, %dma_wait3A_38] : memref<10000x128xf32, #tpu.memory_space<vmem_shared>> -> memref<624x128xf32, #tpu.memory_space<vmem_shared>>
      tpu.wait_dma2 semaphore(%run_scoped3A : memref<!tpu.dma_semaphore, #tpu.memory_space<semaphore_mem>>) src(%dma_wait3A_39 : memref<624x128xf32, #tpu.memory_space<vmem_shared>>) dst(%dma_wait3A_37 : memref<624x128xf32, #tpu.memory_space<hbm>>)
      tpu.yield
    }) : () -> ()
    %eq3A_25 = arith.constant 0 : i32
    %eq3A_26 = arith.cmpi eq, %arg1, %eq3A_25 : i32
    %convert_element_type3A_27 = arith.extui %eq3A_26 : i1 to i32
    %cond3A_28 = arith.constant 0 : i32
    %cond3A_29 = arith.cmpi ne, %convert_element_type3A_27, %cond3A_28 : i32
    scf.if %cond3A_29 {
      "tpu.region"() ({
        %run_scoped3A = tpu.sem_alloc : memref<!tpu.dma_semaphore, #tpu.memory_space<semaphore_mem>>
        %dma_start3A_30 = arith.constant 9984 : i32
        %dma_start3A_31 = arith.constant 0 : i32
        %dma_start3A_32 = tpu.memref_slice %arg5[%arg0, %dma_start3A_30, %dma_start3A_31] : memref<2x10000x128xf32, #tpu.memory_space<hbm>> -> memref<1x16x128xf32, #tpu.memory_space<hbm>>
        %dma_start3A_33 = tpu.memref_squeeze %dma_start3A_32 : memref<1x16x128xf32, #tpu.memory_space<hbm>> -> memref<16x128xf32, #tpu.memory_space<hbm>>
        %dma_start3A_34 = arith.constant 9984 : i32
        %dma_start3A_35 = arith.constant 0 : i32
        %dma_start3A_36 = tpu.memref_slice %arg6[%dma_start3A_34, %dma_start3A_35] : memref<10000x128xf32, #tpu.memory_space<vmem_shared>> -> memref<16x128xf32, #tpu.memory_space<vmem_shared>>
        tpu.enqueue_dma source(%dma_start3A_36 : memref<16x128xf32, #tpu.memory_space<vmem_shared>>) target(%dma_start3A_33 : memref<16x128xf32, #tpu.memory_space<hbm>>) target_semaphore(%run_scoped3A : memref<!tpu.dma_semaphore, #tpu.memory_space<semaphore_mem>>)
        %dma_wait3A_37 = arith.constant 9984 : i32
        %dma_wait3A_38 = arith.constant 0 : i32
        %dma_wait3A_39 = tpu.memref_slice %arg5[%arg0, %dma_wait3A_37, %dma_wait3A_38] : memref<2x10000x128xf32, #tpu.memory_space<hbm>> -> memref<1x16x128xf32, #tpu.memory_space<hbm>>
        %dma_wait3A_40 = tpu.memref_squeeze %dma_wait3A_39 : memref<1x16x128xf32, #tpu.memory_space<hbm>> -> memref<16x128xf32, #tpu.memory_space<hbm>>
        %dma_wait3A_41 = arith.constant 9984 : i32
        %dma_wait3A_42 = arith.constant 0 : i32
        %dma_wait3A_43 = tpu.memref_slice %arg6[%dma_wait3A_41, %dma_wait3A_42] : memref<10000x128xf32, #tpu.memory_space<vmem_shared>> -> memref<16x128xf32, #tpu.memory_space<vmem_shared>>
        tpu.wait_dma2 semaphore(%run_scoped3A : memref<!tpu.dma_semaphore, #tpu.memory_space<semaphore_mem>>) src(%dma_wait3A_43 : memref<16x128xf32, #tpu.memory_space<vmem_shared>>) dst(%dma_wait3A_40 : memref<16x128xf32, #tpu.memory_space<hbm>>)
        tpu.yield
      }) : () -> ()
    } else {
    }
    return
  }
}

#map = affine_map<(d0, d1) -> (0, 0)>
#map1 = affine_map<(d0, d1) -> (0)>
#map2 = affine_map<(d0, d1) -> (0, 0, 0)>
module attributes {stable_mosaic.version = 14 : i64} {
  func.func @_agg(%arg0: i32, %arg1: i32, %arg2: memref<10000x128xf32, #tpu.memory_space<hbm>>, %arg3: memref<320000xi32, #tpu.memory_space<hbm>>, %arg4: memref<320000xi32, #tpu.memory_space<hbm>>, %arg5: memref<2x10000x128xf32, #tpu.memory_space<hbm>>, %arg6: memref<10000x128xf32, #tpu.memory_space<vmem_shared>>, %arg7: memref<128x128xf32, #tpu.memory_space<vmem>>, %arg8: memref<128x128xf32, #tpu.memory_space<vmem>>, %arg9: memref<128xi32, #tpu.memory_space<vmem>>, %arg10: memref<128xi32, #tpu.memory_space<vmem>>, %arg11: memref<128xi32, #tpu.memory_space<vmem>>, %arg12: memref<128xi32, #tpu.memory_space<vmem>>, %arg13: memref<16x128xf32, #tpu.memory_space<vmem>>, %arg14: memref<16xi32, #tpu.memory_space<vmem>>, %arg15: memref<16xi32, #tpu.memory_space<vmem>>, %arg16: memref<!tpu.dma_semaphore, #tpu.memory_space<semaphore_mem>>, %arg17: memref<!tpu.dma_semaphore, #tpu.memory_space<semaphore_mem>>) attributes {dimension_semantics = [#tpu.dimension_semantics<core_parallel>, #tpu.dimension_semantics<subcore_parallel>], iteration_bounds = array<i64: 2, 16>, scalar_prefetch = 0 : i64, scratch_operands = 12 : i64, tpu.core_type = #tpu.core_type<sc_vector_subcore>, window_params = [{transform_indices = #map}, {transform_indices = #map1}, {transform_indices = #map1}, {transform_indices = #map2}]} {
    %mul3A = arith.constant 16 : i32
    %mul3A_0 = arith.muli %arg0, %mul3A : i32
    %add3A = arith.addi %mul3A_0, %arg1 : i32
    %mul3A_1 = arith.constant 624 : i32
    %mul3A_2 = arith.muli %arg1, %mul3A_1 : i32
    %mul3A_3 = arith.constant 624 : i32
    %mul3A_4 = arith.muli %arg1, %mul3A_3 : i32
    "tpu.region"() ({
      %run_scoped3A = tpu.sem_alloc : memref<!tpu.dma_semaphore, #tpu.memory_space<semaphore_mem>>
      %dma_start3A_30 = arith.constant 0 : i32
      %dma_start3A_31 = tpu.memref_slice %arg6[%mul3A_4, %dma_start3A_30] : memref<10000x128xf32, #tpu.memory_space<vmem_shared>> -> memref<624x128xf32, #tpu.memory_space<vmem_shared>>
      %dma_start3A_32 = arith.constant 0 : i32
      %dma_start3A_33 = tpu.memref_slice %arg2[%mul3A_2, %dma_start3A_32] : memref<10000x128xf32, #tpu.memory_space<hbm>> -> memref<624x128xf32, #tpu.memory_space<hbm>>
      tpu.enqueue_dma source(%dma_start3A_33 : memref<624x128xf32, #tpu.memory_space<hbm>>) target(%dma_start3A_31 : memref<624x128xf32, #tpu.memory_space<vmem_shared>>) target_semaphore(%run_scoped3A : memref<!tpu.dma_semaphore, #tpu.memory_space<semaphore_mem>>)
      %dma_wait3A_34 = arith.constant 0 : i32
      %dma_wait3A_35 = tpu.memref_slice %arg6[%mul3A_4, %dma_wait3A_34] : memref<10000x128xf32, #tpu.memory_space<vmem_shared>> -> memref<624x128xf32, #tpu.memory_space<vmem_shared>>
      %dma_wait3A_36 = arith.constant 0 : i32
      %dma_wait3A_37 = tpu.memref_slice %arg2[%mul3A_2, %dma_wait3A_36] : memref<10000x128xf32, #tpu.memory_space<hbm>> -> memref<624x128xf32, #tpu.memory_space<hbm>>
      tpu.wait_dma2 semaphore(%run_scoped3A : memref<!tpu.dma_semaphore, #tpu.memory_space<semaphore_mem>>) src(%dma_wait3A_37 : memref<624x128xf32, #tpu.memory_space<hbm>>) dst(%dma_wait3A_35 : memref<624x128xf32, #tpu.memory_space<vmem_shared>>)
      tpu.yield
    }) : () -> ()
    %eq3A = arith.constant 0 : i32
    %eq3A_5 = arith.cmpi eq, %arg1, %eq3A : i32
    %convert_element_type3A = arith.extui %eq3A_5 : i1 to i32
    %cond3A = arith.constant 0 : i32
    %cond3A_6 = arith.cmpi ne, %convert_element_type3A, %cond3A : i32
    scf.if %cond3A_6 {
      "tpu.region"() ({
        %run_scoped3A = tpu.sem_alloc : memref<!tpu.dma_semaphore, #tpu.memory_space<semaphore_mem>>
        %dma_start3A_30 = arith.constant 9984 : i32
        %dma_start3A_31 = arith.constant 0 : i32
        %dma_start3A_32 = tpu.memref_slice %arg6[%dma_start3A_30, %dma_start3A_31] : memref<10000x128xf32, #tpu.memory_space<vmem_shared>> -> memref<16x128xf32, #tpu.memory_space<vmem_shared>>
        %dma_start3A_33 = arith.constant 9984 : i32
        %dma_start3A_34 = arith.constant 0 : i32
        %dma_start3A_35 = tpu.memref_slice %arg2[%dma_start3A_33, %dma_start3A_34] : memref<10000x128xf32, #tpu.memory_space<hbm>> -> memref<16x128xf32, #tpu.memory_space<hbm>>
        tpu.enqueue_dma source(%dma_start3A_35 : memref<16x128xf32, #tpu.memory_space<hbm>>) target(%dma_start3A_32 : memref<16x128xf32, #tpu.memory_space<vmem_shared>>) target_semaphore(%run_scoped3A : memref<!tpu.dma_semaphore, #tpu.memory_space<semaphore_mem>>)
        %dma_wait3A_36 = arith.constant 9984 : i32
        %dma_wait3A_37 = arith.constant 0 : i32
        %dma_wait3A_38 = tpu.memref_slice %arg6[%dma_wait3A_36, %dma_wait3A_37] : memref<10000x128xf32, #tpu.memory_space<vmem_shared>> -> memref<16x128xf32, #tpu.memory_space<vmem_shared>>
        %dma_wait3A_39 = arith.constant 9984 : i32
        %dma_wait3A_40 = arith.constant 0 : i32
        %dma_wait3A_41 = tpu.memref_slice %arg2[%dma_wait3A_39, %dma_wait3A_40] : memref<10000x128xf32, #tpu.memory_space<hbm>> -> memref<16x128xf32, #tpu.memory_space<hbm>>
        tpu.wait_dma2 semaphore(%run_scoped3A : memref<!tpu.dma_semaphore, #tpu.memory_space<semaphore_mem>>) src(%dma_wait3A_41 : memref<16x128xf32, #tpu.memory_space<hbm>>) dst(%dma_wait3A_38 : memref<16x128xf32, #tpu.memory_space<vmem_shared>>)
        tpu.yield
      }) : () -> ()
    } else {
    }
    %barrier3A = arith.constant 0 : index
    tpu.barrier barrier_id(%barrier3A)
    %mul3A_7 = arith.constant 10000 : i32
    %mul3A_8 = arith.muli %add3A, %mul3A_7 : i32
    %scan3A = arith.constant 0 : i32
    %scan3A_9 = arith.constant 0 : i32
    %scan3A_10 = arith.constant 39 : i32
    %scan3A_11 = arith.addi %scan3A_9, %scan3A_10 : i32
    %scan3A_12 = arith.constant 1 : i32
    scf.for %scan3A_30 = %scan3A_9 to %scan3A_11 step %scan3A_12  : i32 {
      %mul3A_31 = arith.constant 2 : i32
      %mul3A_32 = arith.muli %mul3A_31, %scan3A_30 : i32
      %mul3A_33 = arith.constant 128 : i32
      %mul3A_34 = arith.muli %mul3A_32, %mul3A_33 : i32
      %add3A_35 = arith.addi %mul3A_8, %mul3A_34 : i32
      %add3A_36 = arith.constant 128 : i32
      %add3A_37 = arith.addi %add3A_35, %add3A_36 : i32
      "tpu.region"() ({
        %run_scoped3A = tpu.sem_alloc : memref<!tpu.dma_semaphore, #tpu.memory_space<semaphore_mem>>
        %dma_start3A_50 = tpu.memref_slice %arg3[%add3A_35] : memref<320000xi32, #tpu.memory_space<hbm>> -> memref<128xi32, #tpu.memory_space<hbm>>
        %dma_start3A_51 = tpu.memref_slice %arg3[%add3A_35] : memref<320000xi32, #tpu.memory_space<hbm>> -> memref<128xi32, #tpu.memory_space<hbm>>
        tpu.enqueue_dma source(%dma_start3A_51 : memref<128xi32, #tpu.memory_space<hbm>>) target(%arg9 : memref<128xi32, #tpu.memory_space<vmem>>) target_semaphore(%run_scoped3A : memref<!tpu.dma_semaphore, #tpu.memory_space<semaphore_mem>>)
        %dma_wait3A_52 = tpu.memref_slice %arg3[%add3A_35] : memref<320000xi32, #tpu.memory_space<hbm>> -> memref<128xi32, #tpu.memory_space<hbm>>
        %dma_wait3A_53 = tpu.memref_slice %arg3[%add3A_35] : memref<320000xi32, #tpu.memory_space<hbm>> -> memref<128xi32, #tpu.memory_space<hbm>>
        tpu.wait_dma2 semaphore(%run_scoped3A : memref<!tpu.dma_semaphore, #tpu.memory_space<semaphore_mem>>) src(%dma_wait3A_53 : memref<128xi32, #tpu.memory_space<hbm>>) dst(%arg9 : memref<128xi32, #tpu.memory_space<vmem>>)
        tpu.yield
      }) : () -> ()
      "tpu.region"() ({
        %run_scoped3A = tpu.sem_alloc : memref<!tpu.dma_semaphore, #tpu.memory_space<semaphore_mem>>
        %dma_start3A_50 = tpu.memref_slice %arg4[%add3A_35] : memref<320000xi32, #tpu.memory_space<hbm>> -> memref<128xi32, #tpu.memory_space<hbm>>
        %dma_start3A_51 = tpu.memref_slice %arg4[%add3A_35] : memref<320000xi32, #tpu.memory_space<hbm>> -> memref<128xi32, #tpu.memory_space<hbm>>
        tpu.enqueue_dma source(%dma_start3A_51 : memref<128xi32, #tpu.memory_space<hbm>>) target(%arg10 : memref<128xi32, #tpu.memory_space<vmem>>) target_semaphore(%run_scoped3A : memref<!tpu.dma_semaphore, #tpu.memory_space<semaphore_mem>>)
        %dma_wait3A_52 = tpu.memref_slice %arg4[%add3A_35] : memref<320000xi32, #tpu.memory_space<hbm>> -> memref<128xi32, #tpu.memory_space<hbm>>
        %dma_wait3A_53 = tpu.memref_slice %arg4[%add3A_35] : memref<320000xi32, #tpu.memory_space<hbm>> -> memref<128xi32, #tpu.memory_space<hbm>>
        tpu.wait_dma2 semaphore(%run_scoped3A : memref<!tpu.dma_semaphore, #tpu.memory_space<semaphore_mem>>) src(%dma_wait3A_53 : memref<128xi32, #tpu.memory_space<hbm>>) dst(%arg10 : memref<128xi32, #tpu.memory_space<vmem>>)
        tpu.yield
      }) : () -> ()
      %dma_start3A_38 = arith.constant 0 : i32
      %dma_start3A_39 = arith.constant 0 : i32
      %dma_start3A_40 = tpu.memref_slice %arg2[%dma_start3A_38, %dma_start3A_39] : memref<10000x128xf32, #tpu.memory_space<hbm>> -> memref<10000x128xf32, #tpu.memory_space<hbm>>
      tpu.enqueue_indirect_dma source(%dma_start3A_40 : memref<10000x128xf32, #tpu.memory_space<hbm>>) target(%arg7 : memref<128x128xf32, #tpu.memory_space<vmem>>) offsets(%arg9 : memref<128xi32, #tpu.memory_space<vmem>>) semaphore(%arg16 : memref<!tpu.dma_semaphore, #tpu.memory_space<semaphore_mem>>)
      "tpu.region"() ({
        %run_scoped3A = tpu.sem_alloc : memref<!tpu.dma_semaphore, #tpu.memory_space<semaphore_mem>>
        %dma_start3A_50 = tpu.memref_slice %arg3[%add3A_37] : memref<320000xi32, #tpu.memory_space<hbm>> -> memref<128xi32, #tpu.memory_space<hbm>>
        %dma_start3A_51 = tpu.memref_slice %arg3[%add3A_37] : memref<320000xi32, #tpu.memory_space<hbm>> -> memref<128xi32, #tpu.memory_space<hbm>>
        tpu.enqueue_dma source(%dma_start3A_51 : memref<128xi32, #tpu.memory_space<hbm>>) target(%arg11 : memref<128xi32, #tpu.memory_space<vmem>>) target_semaphore(%run_scoped3A : memref<!tpu.dma_semaphore, #tpu.memory_space<semaphore_mem>>)
        %dma_wait3A_52 = tpu.memref_slice %arg3[%add3A_37] : memref<320000xi32, #tpu.memory_space<hbm>> -> memref<128xi32, #tpu.memory_space<hbm>>
        %dma_wait3A_53 = tpu.memref_slice %arg3[%add3A_37] : memref<320000xi32, #tpu.memory_space<hbm>> -> memref<128xi32, #tpu.memory_space<hbm>>
        tpu.wait_dma2 semaphore(%run_scoped3A : memref<!tpu.dma_semaphore, #tpu.memory_space<semaphore_mem>>) src(%dma_wait3A_53 : memref<128xi32, #tpu.memory_space<hbm>>) dst(%arg11 : memref<128xi32, #tpu.memory_space<vmem>>)
        tpu.yield
      }) : () -> ()
      "tpu.region"() ({
        %run_scoped3A = tpu.sem_alloc : memref<!tpu.dma_semaphore, #tpu.memory_space<semaphore_mem>>
        %dma_start3A_50 = tpu.memref_slice %arg4[%add3A_37] : memref<320000xi32, #tpu.memory_space<hbm>> -> memref<128xi32, #tpu.memory_space<hbm>>
        %dma_start3A_51 = tpu.memref_slice %arg4[%add3A_37] : memref<320000xi32, #tpu.memory_space<hbm>> -> memref<128xi32, #tpu.memory_space<hbm>>
        tpu.enqueue_dma source(%dma_start3A_51 : memref<128xi32, #tpu.memory_space<hbm>>) target(%arg12 : memref<128xi32, #tpu.memory_space<vmem>>) target_semaphore(%run_scoped3A : memref<!tpu.dma_semaphore, #tpu.memory_space<semaphore_mem>>)
        %dma_wait3A_52 = tpu.memref_slice %arg4[%add3A_37] : memref<320000xi32, #tpu.memory_space<hbm>> -> memref<128xi32, #tpu.memory_space<hbm>>
        %dma_wait3A_53 = tpu.memref_slice %arg4[%add3A_37] : memref<320000xi32, #tpu.memory_space<hbm>> -> memref<128xi32, #tpu.memory_space<hbm>>
        tpu.wait_dma2 semaphore(%run_scoped3A : memref<!tpu.dma_semaphore, #tpu.memory_space<semaphore_mem>>) src(%dma_wait3A_53 : memref<128xi32, #tpu.memory_space<hbm>>) dst(%arg12 : memref<128xi32, #tpu.memory_space<vmem>>)
        tpu.yield
      }) : () -> ()
      %dma_start3A_41 = arith.constant 0 : i32
      %dma_start3A_42 = arith.constant 0 : i32
      %dma_start3A_43 = tpu.memref_slice %arg2[%dma_start3A_41, %dma_start3A_42] : memref<10000x128xf32, #tpu.memory_space<hbm>> -> memref<10000x128xf32, #tpu.memory_space<hbm>>
      tpu.enqueue_indirect_dma source(%dma_start3A_43 : memref<10000x128xf32, #tpu.memory_space<hbm>>) target(%arg8 : memref<128x128xf32, #tpu.memory_space<vmem>>) offsets(%arg11 : memref<128xi32, #tpu.memory_space<vmem>>) semaphore(%arg17 : memref<!tpu.dma_semaphore, #tpu.memory_space<semaphore_mem>>)
      %dma_wait3A_44 = arith.constant 0 : i32
      %dma_wait3A_45 = arith.constant 0 : i32
      %dma_wait3A_46 = tpu.memref_slice %arg2[%dma_wait3A_44, %dma_wait3A_45] : memref<10000x128xf32, #tpu.memory_space<hbm>> -> memref<10000x128xf32, #tpu.memory_space<hbm>>
      tpu.wait_indirect_dma semaphore(%arg16 : memref<!tpu.dma_semaphore, #tpu.memory_space<semaphore_mem>>) src(%dma_wait3A_46 : memref<10000x128xf32, #tpu.memory_space<hbm>>) dst(%arg7 : memref<128x128xf32, #tpu.memory_space<vmem>>)
      "tpu.region"() ({
        %run_scoped3A = tpu.sem_alloc : memref<!tpu.dma_semaphore, #tpu.memory_space<semaphore_mem>>
        %dma_start3A_50 = arith.constant 0 : i32
        %dma_start3A_51 = arith.constant 0 : i32
        %dma_start3A_52 = tpu.memref_slice %arg6[%dma_start3A_50, %dma_start3A_51] : memref<10000x128xf32, #tpu.memory_space<vmem_shared>> -> memref<10000x128xf32, #tpu.memory_space<vmem_shared>>
        tpu.enqueue_indirect_dma source(%arg7 : memref<128x128xf32, #tpu.memory_space<vmem>>) target(%dma_start3A_52 : memref<10000x128xf32, #tpu.memory_space<vmem_shared>>) offsets(%arg10 : memref<128xi32, #tpu.memory_space<vmem>>) semaphore(%run_scoped3A : memref<!tpu.dma_semaphore, #tpu.memory_space<semaphore_mem>>) {add = true}
        %dma_wait3A_53 = arith.constant 0 : i32
        %dma_wait3A_54 = arith.constant 0 : i32
        %dma_wait3A_55 = tpu.memref_slice %arg6[%dma_wait3A_53, %dma_wait3A_54] : memref<10000x128xf32, #tpu.memory_space<vmem_shared>> -> memref<10000x128xf32, #tpu.memory_space<vmem_shared>>
        tpu.wait_indirect_dma semaphore(%run_scoped3A : memref<!tpu.dma_semaphore, #tpu.memory_space<semaphore_mem>>) src(%arg7 : memref<128x128xf32, #tpu.memory_space<vmem>>) dst(%dma_wait3A_55 : memref<10000x128xf32, #tpu.memory_space<vmem_shared>>)
        tpu.yield
      }) : () -> ()
      %dma_wait3A_47 = arith.constant 0 : i32
      %dma_wait3A_48 = arith.constant 0 : i32
      %dma_wait3A_49 = tpu.memref_slice %arg2[%dma_wait3A_47, %dma_wait3A_48] : memref<10000x128xf32, #tpu.memory_space<hbm>> -> memref<10000x128xf32, #tpu.memory_space<hbm>>
      tpu.wait_indirect_dma semaphore(%arg17 : memref<!tpu.dma_semaphore, #tpu.memory_space<semaphore_mem>>) src(%dma_wait3A_49 : memref<10000x128xf32, #tpu.memory_space<hbm>>) dst(%arg8 : memref<128x128xf32, #tpu.memory_space<vmem>>)
      "tpu.region"() ({
        %run_scoped3A = tpu.sem_alloc : memref<!tpu.dma_semaphore, #tpu.memory_space<semaphore_mem>>
        %dma_start3A_50 = arith.constant 0 : i32
        %dma_start3A_51 = arith.constant 0 : i32
        %dma_start3A_52 = tpu.memref_slice %arg6[%dma_start3A_50, %dma_start3A_51] : memref<10000x128xf32, #tpu.memory_space<vmem_shared>> -> memref<10000x128xf32, #tpu.memory_space<vmem_shared>>
        tpu.enqueue_indirect_dma source(%arg8 : memref<128x128xf32, #tpu.memory_space<vmem>>) target(%dma_start3A_52 : memref<10000x128xf32, #tpu.memory_space<vmem_shared>>) offsets(%arg12 : memref<128xi32, #tpu.memory_space<vmem>>) semaphore(%run_scoped3A : memref<!tpu.dma_semaphore, #tpu.memory_space<semaphore_mem>>) {add = true}
        %dma_wait3A_53 = arith.constant 0 : i32
        %dma_wait3A_54 = arith.constant 0 : i32
        %dma_wait3A_55 = tpu.memref_slice %arg6[%dma_wait3A_53, %dma_wait3A_54] : memref<10000x128xf32, #tpu.memory_space<vmem_shared>> -> memref<10000x128xf32, #tpu.memory_space<vmem_shared>>
        tpu.wait_indirect_dma semaphore(%run_scoped3A : memref<!tpu.dma_semaphore, #tpu.memory_space<semaphore_mem>>) src(%arg8 : memref<128x128xf32, #tpu.memory_space<vmem>>) dst(%dma_wait3A_55 : memref<10000x128xf32, #tpu.memory_space<vmem_shared>>)
        tpu.yield
      }) : () -> ()
    }
    %scan3A_13 = arith.constant 39 : i32
    %add3A_14 = arith.constant 9984 : i32
    %add3A_15 = arith.addi %mul3A_8, %add3A_14 : i32
    "tpu.region"() ({
      %run_scoped3A = tpu.sem_alloc : memref<!tpu.dma_semaphore, #tpu.memory_space<semaphore_mem>>
      %dma_start3A_30 = tpu.memref_slice %arg3[%add3A_15] : memref<320000xi32, #tpu.memory_space<hbm>> -> memref<16xi32, #tpu.memory_space<hbm>>
      %dma_start3A_31 = tpu.memref_slice %arg3[%add3A_15] : memref<320000xi32, #tpu.memory_space<hbm>> -> memref<16xi32, #tpu.memory_space<hbm>>
      tpu.enqueue_dma source(%dma_start3A_31 : memref<16xi32, #tpu.memory_space<hbm>>) target(%arg14 : memref<16xi32, #tpu.memory_space<vmem>>) target_semaphore(%run_scoped3A : memref<!tpu.dma_semaphore, #tpu.memory_space<semaphore_mem>>)
      %dma_wait3A_32 = tpu.memref_slice %arg3[%add3A_15] : memref<320000xi32, #tpu.memory_space<hbm>> -> memref<16xi32, #tpu.memory_space<hbm>>
      %dma_wait3A_33 = tpu.memref_slice %arg3[%add3A_15] : memref<320000xi32, #tpu.memory_space<hbm>> -> memref<16xi32, #tpu.memory_space<hbm>>
      tpu.wait_dma2 semaphore(%run_scoped3A : memref<!tpu.dma_semaphore, #tpu.memory_space<semaphore_mem>>) src(%dma_wait3A_33 : memref<16xi32, #tpu.memory_space<hbm>>) dst(%arg14 : memref<16xi32, #tpu.memory_space<vmem>>)
      tpu.yield
    }) : () -> ()
    "tpu.region"() ({
      %run_scoped3A = tpu.sem_alloc : memref<!tpu.dma_semaphore, #tpu.memory_space<semaphore_mem>>
      %dma_start3A_30 = tpu.memref_slice %arg4[%add3A_15] : memref<320000xi32, #tpu.memory_space<hbm>> -> memref<16xi32, #tpu.memory_space<hbm>>
      %dma_start3A_31 = tpu.memref_slice %arg4[%add3A_15] : memref<320000xi32, #tpu.memory_space<hbm>> -> memref<16xi32, #tpu.memory_space<hbm>>
      tpu.enqueue_dma source(%dma_start3A_31 : memref<16xi32, #tpu.memory_space<hbm>>) target(%arg15 : memref<16xi32, #tpu.memory_space<vmem>>) target_semaphore(%run_scoped3A : memref<!tpu.dma_semaphore, #tpu.memory_space<semaphore_mem>>)
      %dma_wait3A_32 = tpu.memref_slice %arg4[%add3A_15] : memref<320000xi32, #tpu.memory_space<hbm>> -> memref<16xi32, #tpu.memory_space<hbm>>
      %dma_wait3A_33 = tpu.memref_slice %arg4[%add3A_15] : memref<320000xi32, #tpu.memory_space<hbm>> -> memref<16xi32, #tpu.memory_space<hbm>>
      tpu.wait_dma2 semaphore(%run_scoped3A : memref<!tpu.dma_semaphore, #tpu.memory_space<semaphore_mem>>) src(%dma_wait3A_33 : memref<16xi32, #tpu.memory_space<hbm>>) dst(%arg15 : memref<16xi32, #tpu.memory_space<vmem>>)
      tpu.yield
    }) : () -> ()
    %dma_start3A = arith.constant 0 : i32
    %dma_start3A_16 = arith.constant 0 : i32
    %dma_start3A_17 = tpu.memref_slice %arg2[%dma_start3A, %dma_start3A_16] : memref<10000x128xf32, #tpu.memory_space<hbm>> -> memref<10000x128xf32, #tpu.memory_space<hbm>>
    tpu.enqueue_indirect_dma source(%dma_start3A_17 : memref<10000x128xf32, #tpu.memory_space<hbm>>) target(%arg13 : memref<16x128xf32, #tpu.memory_space<vmem>>) offsets(%arg14 : memref<16xi32, #tpu.memory_space<vmem>>) semaphore(%arg16 : memref<!tpu.dma_semaphore, #tpu.memory_space<semaphore_mem>>)
    %dma_wait3A = arith.constant 0 : i32
    %dma_wait3A_18 = arith.constant 0 : i32
    %dma_wait3A_19 = tpu.memref_slice %arg2[%dma_wait3A, %dma_wait3A_18] : memref<10000x128xf32, #tpu.memory_space<hbm>> -> memref<10000x128xf32, #tpu.memory_space<hbm>>
    tpu.wait_indirect_dma semaphore(%arg16 : memref<!tpu.dma_semaphore, #tpu.memory_space<semaphore_mem>>) src(%dma_wait3A_19 : memref<10000x128xf32, #tpu.memory_space<hbm>>) dst(%arg13 : memref<16x128xf32, #tpu.memory_space<vmem>>)
    "tpu.region"() ({
      %run_scoped3A = tpu.sem_alloc : memref<!tpu.dma_semaphore, #tpu.memory_space<semaphore_mem>>
      %dma_start3A_30 = arith.constant 0 : i32
      %dma_start3A_31 = arith.constant 0 : i32
      %dma_start3A_32 = tpu.memref_slice %arg6[%dma_start3A_30, %dma_start3A_31] : memref<10000x128xf32, #tpu.memory_space<vmem_shared>> -> memref<10000x128xf32, #tpu.memory_space<vmem_shared>>
      tpu.enqueue_indirect_dma source(%arg13 : memref<16x128xf32, #tpu.memory_space<vmem>>) target(%dma_start3A_32 : memref<10000x128xf32, #tpu.memory_space<vmem_shared>>) offsets(%arg15 : memref<16xi32, #tpu.memory_space<vmem>>) semaphore(%run_scoped3A : memref<!tpu.dma_semaphore, #tpu.memory_space<semaphore_mem>>) {add = true}
      %dma_wait3A_33 = arith.constant 0 : i32
      %dma_wait3A_34 = arith.constant 0 : i32
      %dma_wait3A_35 = tpu.memref_slice %arg6[%dma_wait3A_33, %dma_wait3A_34] : memref<10000x128xf32, #tpu.memory_space<vmem_shared>> -> memref<10000x128xf32, #tpu.memory_space<vmem_shared>>
      tpu.wait_indirect_dma semaphore(%run_scoped3A : memref<!tpu.dma_semaphore, #tpu.memory_space<semaphore_mem>>) src(%arg13 : memref<16x128xf32, #tpu.memory_space<vmem>>) dst(%dma_wait3A_35 : memref<10000x128xf32, #tpu.memory_space<vmem_shared>>)
      tpu.yield
    }) : () -> ()
    %barrier3A_20 = arith.constant 0 : index
    tpu.barrier barrier_id(%barrier3A_20)
    %mul3A_21 = arith.constant 624 : i32
    %mul3A_22 = arith.muli %arg1, %mul3A_21 : i32
    %mul3A_23 = arith.constant 624 : i32
    %mul3A_24 = arith.muli %arg1, %mul3A_23 : i32
    "tpu.region"() ({
      %run_scoped3A = tpu.sem_alloc : memref<!tpu.dma_semaphore, #tpu.memory_space<semaphore_mem>>
      %dma_start3A_30 = arith.constant 0 : i32
      %dma_start3A_31 = tpu.memref_slice %arg5[%arg0, %mul3A_24, %dma_start3A_30] : memref<2x10000x128xf32, #tpu.memory_space<hbm>> -> memref<1x624x128xf32, #tpu.memory_space<hbm>>
      %dma_start3A_32 = tpu.memref_squeeze %dma_start3A_31 : memref<1x624x128xf32, #tpu.memory_space<hbm>> -> memref<624x128xf32, #tpu.memory_space<hbm>>
      %dma_start3A_33 = arith.constant 0 : i32
      %dma_start3A_34 = tpu.memref_slice %arg6[%mul3A_22, %dma_start3A_33] : memref<10000x128xf32, #tpu.memory_space<vmem_shared>> -> memref<624x128xf32, #tpu.memory_space<vmem_shared>>
      tpu.enqueue_dma source(%dma_start3A_34 : memref<624x128xf32, #tpu.memory_space<vmem_shared>>) target(%dma_start3A_32 : memref<624x128xf32, #tpu.memory_space<hbm>>) target_semaphore(%run_scoped3A : memref<!tpu.dma_semaphore, #tpu.memory_space<semaphore_mem>>)
      %dma_wait3A_35 = arith.constant 0 : i32
      %dma_wait3A_36 = tpu.memref_slice %arg5[%arg0, %mul3A_24, %dma_wait3A_35] : memref<2x10000x128xf32, #tpu.memory_space<hbm>> -> memref<1x624x128xf32, #tpu.memory_space<hbm>>
      %dma_wait3A_37 = tpu.memref_squeeze %dma_wait3A_36 : memref<1x624x128xf32, #tpu.memory_space<hbm>> -> memref<624x128xf32, #tpu.memory_space<hbm>>
      %dma_wait3A_38 = arith.constant 0 : i32
      %dma_wait3A_39 = tpu.memref_slice %arg6[%mul3A_22, %dma_wait3A_38] : memref<10000x128xf32, #tpu.memory_space<vmem_shared>> -> memref<624x128xf32, #tpu.memory_space<vmem_shared>>
      tpu.wait_dma2 semaphore(%run_scoped3A : memref<!tpu.dma_semaphore, #tpu.memory_space<semaphore_mem>>) src(%dma_wait3A_39 : memref<624x128xf32, #tpu.memory_space<vmem_shared>>) dst(%dma_wait3A_37 : memref<624x128xf32, #tpu.memory_space<hbm>>)
      tpu.yield
    }) : () -> ()
    %eq3A_25 = arith.constant 0 : i32
    %eq3A_26 = arith.cmpi eq, %arg1, %eq3A_25 : i32
    %convert_element_type3A_27 = arith.extui %eq3A_26 : i1 to i32
    %cond3A_28 = arith.constant 0 : i32
    %cond3A_29 = arith.cmpi ne, %convert_element_type3A_27, %cond3A_28 : i32
    scf.if %cond3A_29 {
      "tpu.region"() ({
        %run_scoped3A = tpu.sem_alloc : memref<!tpu.dma_semaphore, #tpu.memory_space<semaphore_mem>>
        %dma_start3A_30 = arith.constant 9984 : i32
        %dma_start3A_31 = arith.constant 0 : i32
        %dma_start3A_32 = tpu.memref_slice %arg5[%arg0, %dma_start3A_30, %dma_start3A_31] : memref<2x10000x128xf32, #tpu.memory_space<hbm>> -> memref<1x16x128xf32, #tpu.memory_space<hbm>>
        %dma_start3A_33 = tpu.memref_squeeze %dma_start3A_32 : memref<1x16x128xf32, #tpu.memory_space<hbm>> -> memref<16x128xf32, #tpu.memory_space<hbm>>
        %dma_start3A_34 = arith.constant 9984 : i32
        %dma_start3A_35 = arith.constant 0 : i32
        %dma_start3A_36 = tpu.memref_slice %arg6[%dma_start3A_34, %dma_start3A_35] : memref<10000x128xf32, #tpu.memory_space<vmem_shared>> -> memref<16x128xf32, #tpu.memory_space<vmem_shared>>
        tpu.enqueue_dma source(%dma_start3A_36 : memref<16x128xf32, #tpu.memory_space<vmem_shared>>) target(%dma_start3A_33 : memref<16x128xf32, #tpu.memory_space<hbm>>) target_semaphore(%run_scoped3A : memref<!tpu.dma_semaphore, #tpu.memory_space<semaphore_mem>>)
        %dma_wait3A_37 = arith.constant 9984 : i32
        %dma_wait3A_38 = arith.constant 0 : i32
        %dma_wait3A_39 = tpu.memref_slice %arg5[%arg0, %dma_wait3A_37, %dma_wait3A_38] : memref<2x10000x128xf32, #tpu.memory_space<hbm>> -> memref<1x16x128xf32, #tpu.memory_space<hbm>>
        %dma_wait3A_40 = tpu.memref_squeeze %dma_wait3A_39 : memref<1x16x128xf32, #tpu.memory_space<hbm>> -> memref<16x128xf32, #tpu.memory_space<hbm>>
        %dma_wait3A_41 = arith.constant 9984 : i32
        %dma_wait3A_42 = arith.constant 0 : i32
        %dma_wait3A_43 = tpu.memref_slice %arg6[%dma_wait3A_41, %dma_wait3A_42] : memref<10000x128xf32, #tpu.memory_space<vmem_shared>> -> memref<16x128xf32, #tpu.memory_space<vmem_shared>>
        tpu.wait_dma2 semaphore(%run_scoped3A : memref<!tpu.dma_semaphore, #tpu.memory_space<semaphore_mem>>) src(%dma_wait3A_43 : memref<16x128xf32, #tpu.memory_space<vmem_shared>>) dst(%dma_wait3A_40 : memref<16x128xf32, #tpu.memory_space<hbm>>)
        tpu.yield
      }) : () -> ()
    } else {
    }
    return
  }
}

module attributes {stable_mosaic.version = 14 : i64} {
  func.func @_tc1_body(%arg0: i32, %arg1: memref<2x1000x128xf32, #tpu.memory_space<vmem>>, %arg2: memref<1000x128xf32, #tpu.memory_space<vmem>>, %arg3: memref<128x128xf32, #tpu.memory_space<vmem>>, %arg4: memref<1000x128xf32, #tpu.memory_space<vmem>>) attributes {dimension_semantics = [#tpu.dimension_semantics<arbitrary>], iteration_bounds = array<i64: 10>, scalar_prefetch = 0 : i64, scratch_operands = 0 : i64, tpu.core_type = #tpu.core_type<tc>, window_params = [{transform_indices = @transform_0, window_bounds = array<i64: 2, 1000, 128>}, {transform_indices = @transform_1, window_bounds = array<i64: 1000, 128>}, {pipeline_mode = #tpu.pipeline_mode<synchronous>, transform_indices = @transform_2, window_bounds = array<i64: 128, 128>}, {transform_indices = @transform_3, window_bounds = array<i64: 1000, 128>}]} {
    %get3A = arith.constant 0 : index
    %get3A_0 = arith.constant 0 : index
    %get3A_1 = arith.constant 0 : index
    %get3A_2 = vector.load %arg1[%get3A, %get3A_0, %get3A_1] : memref<2x1000x128xf32, #tpu.memory_space<vmem>>, vector<1x1000x1xf32>
    %get3A_3 = vector.shape_cast %get3A_2 : vector<1x1000x1xf32> to vector<1000x1xf32>
    %get3A_4 = arith.constant 1 : index
    %get3A_5 = arith.constant 0 : index
    %get3A_6 = arith.constant 0 : index
    %get3A_7 = vector.load %arg1[%get3A_4, %get3A_5, %get3A_6] : memref<2x1000x128xf32, #tpu.memory_space<vmem>>, vector<1x1000x1xf32>
    %get3A_8 = vector.shape_cast %get3A_7 : vector<1x1000x1xf32> to vector<1000x1xf32>
    %add3A = arith.addf %get3A_3, %get3A_8 : vector<1000x1xf32>
    %sub3A = arith.constant 1.000000e+00 : f32
    %sub3A_9 = vector.broadcast %sub3A : f32 to vector<1000x1xf32>
    %sub3A_10 = arith.subf %add3A, %sub3A_9 : vector<1000x1xf32>
    %max3A = arith.constant 9.99999996E-13 : f32
    %max3A_11 = vector.broadcast %max3A : f32 to vector<1000x1xf32>
    %max3A_12 = arith.maximumf %sub3A_10, %max3A_11 : vector<1000x1xf32>
    %rsqrt3A = math.rsqrt %max3A_12 : vector<1000x1xf32>
    %get3A_13 = arith.constant 0 : index
    %get3A_14 = arith.constant 0 : index
    %get3A_15 = vector.load %arg2[%get3A_13, %get3A_14] : memref<1000x128xf32, #tpu.memory_space<vmem>>, vector<1000x128xf32>
    %get3A_16 = arith.constant 0 : index
    %get3A_17 = arith.constant 0 : index
    %get3A_18 = vector.load %arg3[%get3A_16, %get3A_17] : memref<128x128xf32, #tpu.memory_space<vmem>>, vector<128x128xf32>
    %dot_general3A = arith.constant dense<0.000000e+00> : vector<1000x128xf32>
    %dot_general3A_19 = tpu.matmul %get3A_15, %get3A_18, %dot_general3A {dimension_numbers = #tpu.dot_dimension_numbers<[1], [0], [0], [1], [0, 0, 1, 1], [], []>, transpose_lhs_hint = false} : vector<1000x128xf32>, vector<128x128xf32>, vector<1000x128xf32> -> vector<1000x128xf32>
    %mul3A = vector.broadcast %rsqrt3A : vector<1000x1xf32> to vector<1000x128xf32>
    %mul3A_20 = arith.mulf %mul3A, %dot_general3A_19 : vector<1000x128xf32>
    %swap3A = arith.constant 0 : index
    %swap3A_21 = arith.constant 0 : index
    %swap3A_22 = vector.load %arg4[%swap3A, %swap3A_21] : memref<1000x128xf32, #tpu.memory_space<vmem>>, vector<1000x128xf32>
    tpu.vector_store %arg4[%swap3A, %swap3A_21], %mul3A_20 {strides = array<i32>} : memref<1000x128xf32, #tpu.memory_space<vmem>>, vector<1000x128xf32>,
    return
  }
  func.func @transform_0(%arg0: i32) -> (i32, i32, i32) {
    %c0_i32 = arith.constant 0 : i32
    %c0_i32_0 = arith.constant 0 : i32
    %c0_i32_1 = arith.constant 0 : i32
    return %c0_i32, %arg0, %c0_i32_0 : i32, i32, i32
  }
  func.func @transform_1(%arg0: i32) -> (i32, i32) {
    %c0_i32 = arith.constant 0 : i32
    %c0_i32_0 = arith.constant 0 : i32
    return %arg0, %c0_i32 : i32, i32
  }
  func.func @transform_2(%arg0: i32) -> (i32, i32) {
    %c0_i32 = arith.constant 0 : i32
    %c0_i32_0 = arith.constant 0 : i32
    %c0_i32_1 = arith.constant 0 : i32
    return %c0_i32, %c0_i32_0 : i32, i32
  }
  func.func @transform_3(%arg0: i32) -> (i32, i32) {
    %c0_i32 = arith.constant 0 : i32
    %c0_i32_0 = arith.constant 0 : i32
    return %arg0, %c0_i32 : i32, i32
  }
}

module attributes {stable_mosaic.version = 14 : i64} {
  func.func @_tc2_body(%arg0: i32, %arg1: memref<2x1000x128xf32, #tpu.memory_space<vmem>>, %arg2: memref<1000x128xf32, #tpu.memory_space<vmem>>, %arg3: memref<2x1000x128xf32, #tpu.memory_space<vmem>>, %arg4: memref<1x128xf32, #tpu.memory_space<vmem>>, %arg5: memref<128x128xf32, #tpu.memory_space<vmem>>, %arg6: memref<1000x128xf32, #tpu.memory_space<vmem>>) attributes {dimension_semantics = [#tpu.dimension_semantics<arbitrary>], iteration_bounds = array<i64: 10>, scalar_prefetch = 0 : i64, scratch_operands = 0 : i64, tpu.core_type = #tpu.core_type<tc>, window_params = [{transform_indices = @transform_0, window_bounds = array<i64: 2, 1000, 128>}, {transform_indices = @transform_1, window_bounds = array<i64: 1000, 128>}, {transform_indices = @transform_2, window_bounds = array<i64: 2, 1000, 128>}, {pipeline_mode = #tpu.pipeline_mode<synchronous>, transform_indices = @transform_3, window_bounds = array<i64: 1, 128>}, {pipeline_mode = #tpu.pipeline_mode<synchronous>, transform_indices = @transform_4, window_bounds = array<i64: 128, 128>}, {transform_indices = @transform_5, window_bounds = array<i64: 1000, 128>}]} {
    %get3A = arith.constant 0 : index
    %get3A_0 = arith.constant 0 : index
    %get3A_1 = arith.constant 0 : index
    %get3A_2 = vector.load %arg3[%get3A, %get3A_0, %get3A_1] : memref<2x1000x128xf32, #tpu.memory_space<vmem>>, vector<1x1000x1xf32>
    %get3A_3 = vector.shape_cast %get3A_2 : vector<1x1000x1xf32> to vector<1000x1xf32>
    %get3A_4 = arith.constant 1 : index
    %get3A_5 = arith.constant 0 : index
    %get3A_6 = arith.constant 0 : index
    %get3A_7 = vector.load %arg3[%get3A_4, %get3A_5, %get3A_6] : memref<2x1000x128xf32, #tpu.memory_space<vmem>>, vector<1x1000x1xf32>
    %get3A_8 = vector.shape_cast %get3A_7 : vector<1x1000x1xf32> to vector<1000x1xf32>
    %add3A = arith.addf %get3A_3, %get3A_8 : vector<1000x1xf32>
    %sub3A = arith.constant 1.000000e+00 : f32
    %sub3A_9 = vector.broadcast %sub3A : f32 to vector<1000x1xf32>
    %sub3A_10 = arith.subf %add3A, %sub3A_9 : vector<1000x1xf32>
    %max3A = arith.constant 9.99999996E-13 : f32
    %max3A_11 = vector.broadcast %max3A : f32 to vector<1000x1xf32>
    %max3A_12 = arith.maximumf %sub3A_10, %max3A_11 : vector<1000x1xf32>
    %rsqrt3A = math.rsqrt %max3A_12 : vector<1000x1xf32>
    %get3A_13 = arith.constant 0 : index
    %get3A_14 = arith.constant 0 : index
    %get3A_15 = arith.constant 0 : index
    %get3A_16 = vector.load %arg1[%get3A_13, %get3A_14, %get3A_15] : memref<2x1000x128xf32, #tpu.memory_space<vmem>>, vector<1x1000x128xf32>
    %get3A_17 = vector.shape_cast %get3A_16 : vector<1x1000x128xf32> to vector<1000x128xf32>
    %get3A_18 = arith.constant 1 : index
    %get3A_19 = arith.constant 0 : index
    %get3A_20 = arith.constant 0 : index
    %get3A_21 = vector.load %arg1[%get3A_18, %get3A_19, %get3A_20] : memref<2x1000x128xf32, #tpu.memory_space<vmem>>, vector<1x1000x128xf32>
    %get3A_22 = vector.shape_cast %get3A_21 : vector<1x1000x128xf32> to vector<1000x128xf32>
    %add3A_23 = arith.addf %get3A_17, %get3A_22 : vector<1000x128xf32>
    %get3A_24 = arith.constant 0 : index
    %get3A_25 = arith.constant 0 : index
    %get3A_26 = vector.load %arg2[%get3A_24, %get3A_25] : memref<1000x128xf32, #tpu.memory_space<vmem>>, vector<1000x128xf32>
    %sub3A_27 = arith.subf %add3A_23, %get3A_26 : vector<1000x128xf32>
    %mul3A = vector.broadcast %rsqrt3A : vector<1000x1xf32> to vector<1000x128xf32>
    %mul3A_28 = arith.mulf %mul3A, %sub3A_27 : vector<1000x128xf32>
    %get3A_29 = arith.constant 0 : index
    %get3A_30 = arith.constant 0 : index
    %get3A_31 = vector.load %arg4[%get3A_29, %get3A_30] : memref<1x128xf32, #tpu.memory_space<vmem>>, vector<1x128xf32>
    %add3A_32 = vector.broadcast %get3A_31 : vector<1x128xf32> to vector<1000x128xf32>
    %add3A_33 = arith.addf %mul3A_28, %add3A_32 : vector<1000x128xf32>
    %max3A_34 = arith.constant 0.000000e+00 : f32
    %max3A_35 = vector.broadcast %max3A_34 : f32 to vector<1000x128xf32>
    %max3A_36 = arith.maximumf %add3A_33, %max3A_35 : vector<1000x128xf32>
    %get3A_37 = arith.constant 0 : index
    %get3A_38 = arith.constant 0 : index
    %get3A_39 = vector.load %arg5[%get3A_37, %get3A_38] : memref<128x128xf32, #tpu.memory_space<vmem>>, vector<128x128xf32>
    %dot_general3A = arith.constant dense<0.000000e+00> : vector<1000x128xf32>
    %dot_general3A_40 = tpu.matmul %max3A_36, %get3A_39, %dot_general3A {dimension_numbers = #tpu.dot_dimension_numbers<[1], [0], [0], [1], [0, 0, 1, 1], [], []>, transpose_lhs_hint = false} : vector<1000x128xf32>, vector<128x128xf32>, vector<1000x128xf32> -> vector<1000x128xf32>
    %mul3A_41 = vector.broadcast %rsqrt3A : vector<1000x1xf32> to vector<1000x128xf32>
    %mul3A_42 = arith.mulf %mul3A_41, %dot_general3A_40 : vector<1000x128xf32>
    %swap3A = arith.constant 0 : index
    %swap3A_43 = arith.constant 0 : index
    %swap3A_44 = vector.load %arg6[%swap3A, %swap3A_43] : memref<1000x128xf32, #tpu.memory_space<vmem>>, vector<1000x128xf32>
    tpu.vector_store %arg6[%swap3A, %swap3A_43], %mul3A_42 {strides = array<i32>} : memref<1000x128xf32, #tpu.memory_space<vmem>>, vector<1000x128xf32>,
    return
  }
  func.func @transform_0(%arg0: i32) -> (i32, i32, i32) {
    %c0_i32 = arith.constant 0 : i32
    %c0_i32_0 = arith.constant 0 : i32
    %c0_i32_1 = arith.constant 0 : i32
    return %c0_i32, %arg0, %c0_i32_0 : i32, i32, i32
  }
  func.func @transform_1(%arg0: i32) -> (i32, i32) {
    %c0_i32 = arith.constant 0 : i32
    %c0_i32_0 = arith.constant 0 : i32
    return %arg0, %c0_i32 : i32, i32
  }
  func.func @transform_2(%arg0: i32) -> (i32, i32, i32) {
    %c0_i32 = arith.constant 0 : i32
    %c0_i32_0 = arith.constant 0 : i32
    %c0_i32_1 = arith.constant 0 : i32
    return %c0_i32, %arg0, %c0_i32_0 : i32, i32, i32
  }
  func.func @transform_3(%arg0: i32) -> (i32, i32) {
    %c0_i32 = arith.constant 0 : i32
    %c0_i32_0 = arith.constant 0 : i32
    %c0_i32_1 = arith.constant 0 : i32
    return %c0_i32, %c0_i32_0 : i32, i32
  }
  func.func @transform_4(%arg0: i32) -> (i32, i32) {
    %c0_i32 = arith.constant 0 : i32
    %c0_i32_0 = arith.constant 0 : i32
    %c0_i32_1 = arith.constant 0 : i32
    return %c0_i32, %c0_i32_0 : i32, i32
  }
  func.func @transform_5(%arg0: i32) -> (i32, i32) {
    %c0_i32 = arith.constant 0 : i32
    %c0_i32_0 = arith.constant 0 : i32
    return %arg0, %c0_i32 : i32, i32
  }
}

module attributes {stable_mosaic.version = 14 : i64} {
  func.func @_tc3_body(%arg0: i32, %arg1: memref<2x1000x128xf32, #tpu.memory_space<vmem>>, %arg2: memref<1000x128xf32, #tpu.memory_space<vmem>>, %arg3: memref<2x1000x128xf32, #tpu.memory_space<vmem>>, %arg4: memref<1x128xf32, #tpu.memory_space<vmem>>, %arg5: memref<1000x40xf32, #tpu.memory_space<vmem>>) attributes {dimension_semantics = [#tpu.dimension_semantics<arbitrary>], iteration_bounds = array<i64: 10>, scalar_prefetch = 0 : i64, scratch_operands = 0 : i64, tpu.core_type = #tpu.core_type<tc>, window_params = [{transform_indices = @transform_0, window_bounds = array<i64: 2, 1000, 128>}, {transform_indices = @transform_1, window_bounds = array<i64: 1000, 128>}, {transform_indices = @transform_2, window_bounds = array<i64: 2, 1000, 128>}, {pipeline_mode = #tpu.pipeline_mode<synchronous>, transform_indices = @transform_3, window_bounds = array<i64: 1, 128>}, {transform_indices = @transform_4, window_bounds = array<i64: 1000, 40>}]} {
    %get3A = arith.constant 0 : index
    %get3A_0 = arith.constant 0 : index
    %get3A_1 = arith.constant 0 : index
    %get3A_2 = vector.load %arg3[%get3A, %get3A_0, %get3A_1] : memref<2x1000x128xf32, #tpu.memory_space<vmem>>, vector<1x1000x1xf32>
    %get3A_3 = vector.shape_cast %get3A_2 : vector<1x1000x1xf32> to vector<1000x1xf32>
    %get3A_4 = arith.constant 1 : index
    %get3A_5 = arith.constant 0 : index
    %get3A_6 = arith.constant 0 : index
    %get3A_7 = vector.load %arg3[%get3A_4, %get3A_5, %get3A_6] : memref<2x1000x128xf32, #tpu.memory_space<vmem>>, vector<1x1000x1xf32>
    %get3A_8 = vector.shape_cast %get3A_7 : vector<1x1000x1xf32> to vector<1000x1xf32>
    %add3A = arith.addf %get3A_3, %get3A_8 : vector<1000x1xf32>
    %sub3A = arith.constant 1.000000e+00 : f32
    %sub3A_9 = vector.broadcast %sub3A : f32 to vector<1000x1xf32>
    %sub3A_10 = arith.subf %add3A, %sub3A_9 : vector<1000x1xf32>
    %max3A = arith.constant 9.99999996E-13 : f32
    %max3A_11 = vector.broadcast %max3A : f32 to vector<1000x1xf32>
    %max3A_12 = arith.maximumf %sub3A_10, %max3A_11 : vector<1000x1xf32>
    %rsqrt3A = math.rsqrt %max3A_12 : vector<1000x1xf32>
    %get3A_13 = arith.constant 0 : index
    %get3A_14 = arith.constant 0 : index
    %get3A_15 = arith.constant 0 : index
    %get3A_16 = vector.load %arg1[%get3A_13, %get3A_14, %get3A_15] : memref<2x1000x128xf32, #tpu.memory_space<vmem>>, vector<1x1000x128xf32>
    %get3A_17 = vector.shape_cast %get3A_16 : vector<1x1000x128xf32> to vector<1000x128xf32>
    %get3A_18 = arith.constant 1 : index
    %get3A_19 = arith.constant 0 : index
    %get3A_20 = arith.constant 0 : index
    %get3A_21 = vector.load %arg1[%get3A_18, %get3A_19, %get3A_20] : memref<2x1000x128xf32, #tpu.memory_space<vmem>>, vector<1x1000x128xf32>
    %get3A_22 = vector.shape_cast %get3A_21 : vector<1x1000x128xf32> to vector<1000x128xf32>
    %add3A_23 = arith.addf %get3A_17, %get3A_22 : vector<1000x128xf32>
    %get3A_24 = arith.constant 0 : index
    %get3A_25 = arith.constant 0 : index
    %get3A_26 = vector.load %arg2[%get3A_24, %get3A_25] : memref<1000x128xf32, #tpu.memory_space<vmem>>, vector<1000x128xf32>
    %sub3A_27 = arith.subf %add3A_23, %get3A_26 : vector<1000x128xf32>
    %mul3A = vector.broadcast %rsqrt3A : vector<1000x1xf32> to vector<1000x128xf32>
    %mul3A_28 = arith.mulf %mul3A, %sub3A_27 : vector<1000x128xf32>
    %get3A_29 = arith.constant 0 : index
    %get3A_30 = arith.constant 0 : index
    %get3A_31 = vector.load %arg4[%get3A_29, %get3A_30] : memref<1x128xf32, #tpu.memory_space<vmem>>, vector<1x128xf32>
    %add3A_32 = vector.broadcast %get3A_31 : vector<1x128xf32> to vector<1000x128xf32>
    %add3A_33 = arith.addf %mul3A_28, %add3A_32 : vector<1000x128xf32>
    %iota3A = tpu.iota {dimensions = array<i32: 1>} : vector<1000x128xi32>
    %lt3A = arith.constant 40 : i32
    %lt3A_34 = vector.broadcast %lt3A : i32 to vector<1000x128xi32>
    %lt3A_35 = arith.cmpi slt, %iota3A, %lt3A_34 : vector<1000x128xi32>
    %broadcast_in_dim3A = arith.constant -1.000000e+30 : f32
    %broadcast_in_dim3A_36 = vector.broadcast %broadcast_in_dim3A : f32 to vector<1000x128xf32>
    %select_n3A = arith.select %lt3A_35, %add3A_33, %broadcast_in_dim3A_36 : vector<1000x128xi1>, vector<1000x128xf32>
    %reduce_max3A = arith.constant dense<0xFF800000> : vector<1000xf32>
    %reduce_max3A_37 = vector.multi_reduction <maximumf>, %select_n3A, %reduce_max3A [1] : vector<1000x128xf32> to vector<1000xf32>
    %broadcast_in_dim3A_38 = vector.shape_cast %reduce_max3A_37 : vector<1000xf32> to vector<1000x1xf32>
    %sub3A_39 = vector.broadcast %broadcast_in_dim3A_38 : vector<1000x1xf32> to vector<1000x128xf32>
    %sub3A_40 = arith.subf %select_n3A, %sub3A_39 : vector<1000x128xf32>
    %exp3A = math.exp %sub3A_40 : vector<1000x128xf32>
    %reduce_sum3A = arith.constant dense<0.000000e+00> : vector<1000xf32>
    %reduce_sum3A_41 = vector.multi_reduction <add>, %exp3A, %reduce_sum3A [1] : vector<1000x128xf32> to vector<1000xf32>
    %broadcast_in_dim3A_42 = vector.shape_cast %reduce_sum3A_41 : vector<1000xf32> to vector<1000x1xf32>
    %log3A = math.log %broadcast_in_dim3A_42 : vector<1000x1xf32>
    %sub3A_43 = vector.broadcast %broadcast_in_dim3A_38 : vector<1000x1xf32> to vector<1000x128xf32>
    %sub3A_44 = arith.subf %select_n3A, %sub3A_43 : vector<1000x128xf32>
    %sub3A_45 = vector.broadcast %log3A : vector<1000x1xf32> to vector<1000x128xf32>
    %sub3A_46 = arith.subf %sub3A_44, %sub3A_45 : vector<1000x128xf32>
    %slice3A = vector.extract_strided_slice %sub3A_46 {offsets = [0, 0], sizes = [1000, 40], strides = [1, 1]} : vector<1000x128xf32> to vector<1000x40xf32>
    %swap3A = arith.constant 0 : index
    %swap3A_47 = arith.constant 0 : index
    %swap3A_48 = vector.load %arg5[%swap3A, %swap3A_47] : memref<1000x40xf32, #tpu.memory_space<vmem>>, vector<1000x40xf32>
    tpu.vector_store %arg5[%swap3A, %swap3A_47], %slice3A {strides = array<i32>} : memref<1000x40xf32, #tpu.memory_space<vmem>>, vector<1000x40xf32>,
    return
  }
  func.func @transform_0(%arg0: i32) -> (i32, i32, i32) {
    %c0_i32 = arith.constant 0 : i32
    %c0_i32_0 = arith.constant 0 : i32
    %c0_i32_1 = arith.constant 0 : i32
    return %c0_i32, %arg0, %c0_i32_0 : i32, i32, i32
  }
  func.func @transform_1(%arg0: i32) -> (i32, i32) {
    %c0_i32 = arith.constant 0 : i32
    %c0_i32_0 = arith.constant 0 : i32
    return %arg0, %c0_i32 : i32, i32
  }
  func.func @transform_2(%arg0: i32) -> (i32, i32, i32) {
    %c0_i32 = arith.constant 0 : i32
    %c0_i32_0 = arith.constant 0 : i32
    %c0_i32_1 = arith.constant 0 : i32
    return %c0_i32, %arg0, %c0_i32_0 : i32, i32, i32
  }
  func.func @transform_3(%arg0: i32) -> (i32, i32) {
    %c0_i32 = arith.constant 0 : i32
    %c0_i32_0 = arith.constant 0 : i32
    %c0_i32_1 = arith.constant 0 : i32
    return %c0_i32, %c0_i32_0 : i32, i32
  }
  func.func @transform_4(%arg0: i32) -> (i32, i32) {
    %c0_i32 = arith.constant 0 : i32
    %c0_i32_0 = arith.constant 0 : i32
    return %arg0, %c0_i32 : i32, i32
  }
}

</mosaic_0001>

<sc_bundles>
// kernel: kernel.11.cloned.1.call-start
scs
__scs_entry_jumppad:
0x0: {  	(pc) =	sbr.rel $0x88, $3  }
0x1: {  	(tag) =	ssettag $0x0;
	lr =	simm.s32 $0x1  }
0x2: {  	[smem:$0x3F9B] =	sst lr;
	_ =	strace $0xD0000000  }
0x3: {  	_ = 	snop  }
0x4: {  	_ = 	snop  }
0x5: {  	_ = 	snop  }
0x6: {  	_ = 	snop  }
0x7: {  	_ = 	snop  }
__scs_overlays_trampoline_lowered:
0x8: {  	[smem:$0x3FAA] =	sst s0  }
0x9: {  	[smem:$0x3FAB] =	sst s1  }
0xa: {  	[smem:$0x3FAC] =	sst s2  }
0xb: {  	[smem:$0x3FAD] =	sst s3  }
0xc: {  	[smem:$0x3FAE] =	sst s4  }
0xd: {  	[smem:$0x3FAF] =	sst s5  }
0xe: {  	[smem:$0x3FB0] =	sst s6  }
0xf: {  	[smem:$0x3FB1] =	sst s7  }
0x10: {  	[smem:$0x3FB2] =	sst s8  }
0x11: {  	[smem:$0x3FB3] =	sst s9;
	s0 =	simm.s32 @!p0 $0x0  }
0x12: {  	s1 =	sld [smem:$0x3F99];
	s0 =	simm.s32 @p0 $0x1  }
0x13: {  	[smem:$0x3FB4] =	sst s0;
	s0 =	simm.s32 @!p1 $0x0  }
0x14: {  	s2 =	sld [smem:$0x3F98];
	s0 =	simm.s32 @p1 $0x1  }
0x15: {  	[smem:$0x3FB5] =	sst s0;
	s0 =	simm.s32 @!p2 $0x0  }
0x16: {  	s3 =	sld [smem:$0x3FDB];
	s0 =	simm.s32 @p2 $0x1  }
0x17: {  	s4 =	simm.s32 $0x1BF5;
	[smem:$0x3FB7] =	sst s0  }
0x18: {  	s0 =	sld [smem:$0x3F9A];
	_ =	swait.ge [sflag:s4], $0x0  }
0x19: {  	s7 =	sld [smem:$0x3F9B]  }
0x1a: {  	s8 =	sadd.s32 $0xFFFFE003, lr  }
0x1b: {  	s9 =	sadd.s32 $0xFFFFFEF7, lr;
	s5 =	simm.s32 $0xFFFFFFFF;
	p2 =	slt.u32 s8, $0xFFFFF086  }
0x1c: {  	p1 =	slt.u32 s9, $0xF7A;
	s5 =	simm.s32 @!p2 $0x0  }
0x1d: {  	s5 =	simm.s32 @p1 $0x1;
	p0 =	seq.s32 s7, s2  }
0x1e: {  	s7 =	smul.u32 @!p0 $0xF7A, s2;
	p2 =	seq.s32 @!p0 s5, $0x0  }
0x1f: {  	s9 =	smul.u32 $0xF7A, s1;
	s8 =	simm.s32 @!p0 $0x1BF5;
	p2 =	por !p2, p0  }
0x20: {  	[sflag:s8] =	ssyncset.s32 @!p0 $0xFFFFF086;
	s6 =	sadd.s32 @!p0 s3, s7;
	s7 =	simm.s32 @!p0 $0x108  }
0x21: {  	s3 =	sadd.s32 s3, s9;
	s6 =	sadd.s32 @!p0 $0x88, s6;
	s7 =	simm.s32 @p2 $0x1082  }
0x22: {  	[simem:s7], [sflag:s8] =	dma.local @!p0 [hbm:s6], $0xF7A  }
0x23: {  	s9 =	sor.u32 $0xD0000000, s2;
	s6 =	simm.s32 $0x108;
	_ =	swait.ge @!p0 [sflag:s8], $0x0  }
0x24: {  	s3 =	sadd.s32 $0x88, s3;
	s6 =	simm.s32 @!p1 $0x1082;
	[sflag:s4] =	ssyncset.s32 $0xFFFFF086  }
0x25: {  	[simem:s6], [sflag:s4] =	dma.local [hbm:s3], $0xF7A  }
0x26: {  	[smem:$0x3F9B] =	sst s1;
	(tag) =	ssettag s2;
	_ =	strace s9  }
0x27: {  	s1 =	sld [smem:$0x3FAB]  }
0x28: {  	s2 =	sld [smem:$0x3FAC]  }
0x29: {  	s4 =	sld [smem:$0x3FAE]  }
0x2a: {  	p0 =	seq.s32 s5, $0x0;
	s5 =	sld [smem:$0x3FAF]  }
0x2b: {  	s6 =	sld [smem:$0x3FB0]  }
0x2c: {  	s7 =	sld [smem:$0x3FB1]  }
0x2d: {  	s3 =	simm.s32 $0x108;
	s8 =	sld [smem:$0x3FB2]  }
0x2e: {  	s3 =	simm.s32 @!p0 $0x1082;
	s9 =	sld [smem:$0x3FB3]  }
0x2f: {  	lr =	sadd.s32 s0, s3;
	s0 =	sld [smem:$0x3FAA]  }
0x30: {  	s3 =	sld [smem:$0x3FAD]  }
0x31: {  	[smem:$0x3FB6] =	sst s10  }
0x32: {  	s10 =	sld [smem:$0x3FB4];
	_ =	sdelay $0x3  }
0x33: {  	p0 =	seq.s32 s10, $0x1;
	s10 =	sld [smem:$0x3FB6];
	_ =	sdelay $0x3  }
0x34: {  	[smem:$0x3FB6] =	sst s10  }
0x35: {  	s10 =	sld [smem:$0x3FB5];
	_ =	sdelay $0x3  }
0x36: {  	p1 =	seq.s32 s10, $0x1;
	s10 =	sld [smem:$0x3FB6];
	_ =	sdelay $0x3  }
0x37: {  	[smem:$0x3FB6] =	sst s10  }
0x38: {  	s10 =	sld [smem:$0x3FB7]  }
0x39: {  	_ = 	snop;
	(pc) =	sbr.ind lr, $3  }
0x3a: {  	_ = 	snop  }
0x3b: {  	_ = 	snop  }
0x3c: {  	p2 =	seq.s32 s10, $0x1;
	s10 =	sld [smem:$0x3FB6]  }
0x3d: {  	_ =	shalt  }
0x3e: {  	_ =	shalt  }
0x3f: {  	_ =	shalt  }
0x40: {  	_ =	shalt  }
0x41: {  	_ =	shalt  }
0x42: {  	_ =	shalt  }
0x43: {  	_ =	shalt  }
0x44: {  	_ =	shalt  }
0x45: {  	_ =	shalt  }
0x46: {  	_ =	shalt  }
0x47: {  	_ =	shalt  }
0x48: {  	_ =	shalt  }
0x49: {  	_ =	shalt  }
0x4a: {  	_ =	shalt  }
0x4b: {  	_ =	shalt  }
0x4c: {  	_ =	shalt  }
0x4d: {  	_ =	shalt  }
0x4e: {  	_ =	shalt  }
0x4f: {  	_ =	shalt  }
0x50: {  	_ =	shalt  }
0x51: {  	_ =	shalt  }
0x52: {  	_ =	shalt  }
0x53: {  	_ =	shalt  }
0x54: {  	_ =	shalt  }
0x55: {  	_ =	shalt  }
0x56: {  	_ =	shalt  }
0x57: {  	_ =	shalt  }
0x58: {  	_ =	shalt  }
0x59: {  	_ =	shalt  }
0x5a: {  	_ =	shalt  }
0x5b: {  	_ =	shalt  }
0x5c: {  	_ =	shalt  }
0x5d: {  	_ =	shalt  }
0x5e: {  	_ =	shalt  }
0x5f: {  	_ =	shalt  }
0x60: {  	_ =	shalt  }
0x61: {  	_ =	shalt  }
0x62: {  	_ =	shalt  }
0x63: {  	_ =	shalt  }
0x64: {  	_ =	shalt  }
0x65: {  	_ =	shalt  }
0x66: {  	_ =	shalt  }
0x67: {  	_ =	shalt  }
0x68: {  	_ =	shalt  }
0x69: {  	_ =	shalt  }
0x6a: {  	_ =	shalt  }
0x6b: {  	_ =	shalt  }
0x6c: {  	_ =	shalt  }
0x6d: {  	_ =	shalt  }
0x6e: {  	_ =	shalt  }
0x6f: {  	_ =	shalt  }
0x70: {  	_ =	shalt  }
0x71: {  	_ =	shalt  }
0x72: {  	_ =	shalt  }
0x73: {  	_ =	shalt  }
0x74: {  	_ =	shalt  }
0x75: {  	_ =	shalt  }
0x76: {  	_ =	shalt  }
0x77: {  	_ =	shalt  }
0x78: {  	_ =	shalt  }
0x79: {  	_ =	shalt  }
0x7a: {  	_ =	shalt  }
0x7b: {  	_ =	shalt  }
0x7c: {  	_ =	shalt  }
0x7d: {  	_ =	shalt  }
0x7e: {  	_ =	shalt  }
0x7f: {  	_ =	shalt  }
0x80: {  	_ =	shalt  }
0x81: {  	_ =	shalt  }
0x82: {  	_ =	shalt  }
0x83: {  	_ =	shalt  }
0x84: {  	_ =	shalt  }
0x85: {  	_ =	shalt  }
0x86: {  	_ =	shalt  }
0x87: {  	_ =	shalt  }
.Lfunc_end0:
.L_simem_size_0:
called_computation.1_lowered:
.L_overlay_start_0:
0x88: {  	s2 =	sld [smem:$0x3FD9]  }
0x89: {  	s3 =	sld [smem:$0x3FFE];
	_ =	sdelay $0x1  }
0x8a: {  	s1 =	srdreg.scid  }
0x8b: {  	s0 =	sand.u32 $0x1, s1  }
0x8c: {  	s17 =	sshll.u32 s0, $0xA;
	s2 =	sadd.s32 s3, s2  }
0x8d: {  	s2 =	sadd.s32 s2, s17  }
0x8e: {  	[smem:$0x3FC2] =	sst s2  }
0x8f: {  	_ = 	snop  }
0x90: {  	s2 =	sld [smem:$0x3FD0];
	(tm) =	ssettm $0x1  }
0x91: {  	s18 =	sld [smem:$0x3FFB];
	_ =	sdelay $0x3  }
0x92: {  	_ =	strace s18  }
0x93: {  	s3 =	sld [smem:$0x3FFC];
	_ =	sdelay $0x3  }
0x94: {  	_ =	strace s3  }
0x95: {  	s3 =	sld [smem:$0x3FFD];
	_ =	sdelay $0x3  }
0x96: {  	_ =	strace s3  }
0x97: {  	_ =	strace $0x8FFFFFFF  }
0x98: {  	s19 =	sld [smem:$0x3FDB];
	_ =	sdelay $0x1  }
0x99: {  	s4 =	simm.s32 $_scs_section_size  }
0x9a: {  	s5 =	simm.s32 $_size__tile_overlayer_lowered;
	s6 =	simm.s32 $_tile_overlayer_lowered  }
0x9b: {  	s22 =	simm.s32 $0x1BFF;
	s21 =	sshll.u32 s6, $0x1;
	s3 =	sadd.s32 s4, s19  }
0x9c: {  	s7 =	simm.s32 $0x0;
	s20 =	sshll.u32 s5, $0x1;
	s5 =	sadd.s32 s21, s3  }
0x9d: {  	[timem:s7], [sflag:s22] =	dma.local [hbm:s5], s20  }
0x9e: {  	_ =	swait.ge [sflag:s22], s20  }
0x9f: {  	s4 =	ssub.s32 $0x0, s20;
	[sflag:s22] =	ssyncset.done $0x0  }
0xa0: {  	[sflag:s22] =	ssyncadd.s32 s4;
	_ =	sdelay $0x1  }
0xa1: {  	s23 =	simm.s32 $0x1B8B  }
0xa2: {  	_ =	swait.ge [sflag:s23], $0x1  }
0xa3: {  	[sflag:s23] =	ssyncset.done $0x0  }
0xa4: {  	s25 =	simm.s32 $0x1B8E;
	s24 =	sld [smem:$0x3FFE];
	[sflag:s23] =	ssyncadd.s32 $0xFFFFFFFF  }
0xa5: {  	s26 =	simm.s32 $execute0_lowered;
	[smem:$0x3FD2] =	sst s25  }
0xa6: {  	s5 =	sshll.u32 s26, $0x1;
	_ =	strace $0x80000049;
	[dreg:$0x1] =	wrdreg $0xFFFFFFFF  }
0xa7: {  	s28 =	simm.s32 $_size_execute0_lowered;
	s3 =	sadd.s32 s3, s5;
	[dreg:$0x0] =	wrdreg $0x0  }
0xa8: {  	s5 =	sshll.u32 s28, $0x1;
	[dreg:$0x2] =	wrdreg s3  }
0xa9: {  	[dreg:$0x3] =	wrdreg s5  }
0xaa: {  	[dreg:$0x4] =	wrdreg $0xC0  }
0xab: {  	_ =	task [dreg:s7], $0x5FFFF  }
0xac: {  	[dreg:$0x1] =	wrdreg $0xFFFFFFFF  }
0xad: {  	[dreg:$0x0] =	wrdreg $0x60  }
0xae: {  	[dreg:$0x2] =	wrdreg s24  }
0xaf: {  	[dreg:$0x3] =	wrdreg s2  }
0xb0: {  	[dreg:$0x4] =	wrdreg $0x0  }
0xb1: {  	[dreg:$0x5] =	wrdreg $0x9  }
0xb2: {  	_ =	task.clear_ibuf [dreg:s7], $0x6FFFF;
	_ =	strace $0x90000049  }
0xb3: {  	s29 =	simm.s32 $0x9;
	_ =	strace $0x8000004B  }
0xb4: {  	_ =	swait.ge [sflag:s29], $0x1  }
0xb5: {  	[sflag:s29] =	ssyncadd.s32 $0xFFFFFFFF  }
0xb6: {  	_ =	strace $0x9000004B  }
0xb7: {  	_ =	sfence  }
0xb8: {  	s30 =	sld [smem:$0x0];
	_ =	sdelay $0x2  }
0xb9: {  	s31 =	sshll.u32 s1, $0xD;
	s1 =	sshrl.u32 s1, $0x2  }
0xba: {  	s3 =	sand.u32 $0x4000, s31;
	s1 =	sadd.s32 s1, s30  }
0xbb: {  	s0 =	sor.u32 s3, s0;
	s1 =	sshll.u32 s1, $0x11  }
0xbc: {  	s0 =	sor.u32 s1, s0  }
0xbd: {  	s0 =	sadd.s32 $0x8F2B, s0  }
0xbe: {  	[sflag:s0] =	ssyncadd.remote.s32 $0x1  }
0xbf: {  	_ =	sfence.sel $0xFFFF  }
0xc0: {  	[dreg:$0x0] =	wrdreg $0xFFFFFFFF;
	(pc) =	sbr.abs _section_cstart, $3  }
0xc1: {  	[dreg:$0x1] =	wrdreg $0xFFFFFFFF  }
0xc2: {  	_ =	task.clear_ibuf [dreg:s7], $0x2FFFF;
	_ =	strace $0x9FFFFFFF  }
0xc3: {  	(tm) =	ssettm $0x7FFFFFFF  }
tec
execute0_lowered:
.L_overlay_start_1:
0x0: {  	(tag) =	ssettag $0x1  }
0x1: {  	s0 =	rddreg [dreg:$0x0]  }
0x2: {  	s4 =	rddreg [dreg:$0x1]  }
0x3: {  	s1 =	rddreg [dreg:$0x2];
	s2 =	simm.s32 $0x0;
	s6 =	srdreg.scid  }
0x4: {  	s8 =	stileid.u32;
	s28 =	simm.s32 $0x2;
	s29 =	simm.s32 $0x1C280  }
0x5: {  	s30 =	simm.s32 $0x1C300;
	s31 =	simm.s32 $0x10;
	[smem:$0x7FF] =	sst s2  }
0x6: {  	s3 =	sadd.s32 $0xC000, s0;
	s5 =	sadd.s32 $0x2200, s0;
	s11 =	smul.u32 $0x4E000, s8  }
0x7: {  	s7 =	sadd.s32 $0x81400, s0;
	s9 =	sand.u32 $0x1, s6;
	s13 =	smul.u32 $0x13800, s8  }
0x8: {  	s17 =	sshll.u32 s8, $0x6;
	s18 =	sadd.s32 $0x138000, s1;
	s0 =	sadd.s32 $0x33000, s0  }
0x9: {  	s23 =	smul.u32 $0x2710, s8;
	p0 =	sne.s32 s8, $0x0;
	_ =	strace $0x8000004A  }
0xa: {  	s6 =	ssub.s32 $0x2, s9;
	[dreg:$0x6] =	wrdreg s18;
	s19 =	smul.u32 $0x138800, s9  }
0xb: {  	s10 =	sshll.u32 s9, $0x4;
	[dreg:$0x7] =	wrdreg s0;
	s21 =	smul.u32 $0x27100, s9  }
0xc: {  	s18 =	simm.s32 $0x3;
	s12 =	sshrl.u32 s6, $0x1;
	s10 =	sor.u32 s8, s10  }
0xd: {  	s15 =	sshrl.u32 s11, $0x2;
	s16 =	sshrl.u32 s13, $0x3;
	s14 =	ssub.s32 s6, s12  }
0xe: {  	s10 =	smul.u32 $0x2710, s10;
	s6 =	sadd.s32 s15, s1;
	s22 =	sadd.s32 s13, s19  }
0xf: {  	s11 =	sshrl.u32 s19, $0x3;
	s0 =	sadd.s32 s23, s21;
	s19 =	simm.s32 $0x1B880  }
0x10: {  	s21 =	simm.s32 $0x80;
	s23 =	simm.s32 $0x1B980;
	[dreg:$0x4] =	wrdreg s6  }
0x11: {  	s6 =	sadd.s32 s3, s16;
	s9 =	sshrl.u32 s22, $0x3;
	s24 =	sadd.s32 s7, s11  }
0x12: {  	s13 =	smax.u32 s14, $0x1;
	s26 =	sshrl.u32 s0, $0x3;
	s0 =	sadd.s32 $0x80, s0  }
0x13: {  	s22 =	simm.s32 $0x13880;
	[dreg:$0x5] =	wrdreg s6;
	s6 =	sor.u32 $0x1C03, s17  }
0x14: {  	s10 =	sshrl.u32 s10, $0x3;
	s7 =	sadd.s32 s7, s9;
	s25 =	sadd.s32 $0x27000, s24  }
0x15: {  	s14 =	sadd.s32 s26, s4;
	s15 =	sadd.s32 s26, s5;
	s0 =	sshrl.u32 s0, $0x3  }
0x16: {  	s24 =	simm.s32 $0x1BA00;
	s26 =	simm.s32 $0x1;
	[dreg:$0xa] =	wrdreg s7  }
0x17: {  	s10 =	sadd.s32 $0x4E0, s10;
	[dreg:$0xb] =	wrdreg s25;
	s16 =	sadd.s32 s0, s4  }
0x18: {  	s17 =	sadd.s32 s0, s5;
	s25 =	simm.s32 $0x17880;
	s20 =	sadd.s32 s5, s10  }
0x19: {  	s0 =	simm.s32 $0x1BA80;
	s10 =	sadd.s32 s4, s10;
	[dreg:$0x8] =	wrdreg s20  }
0x1a: {  	s4 =	simm.s32 $0x0;
	[dreg:$0x9] =	wrdreg s10;
	s20 =	simm.s32 $0x1B900  }
.LBB2_1:
0x1b: {  	s5 =	rddreg [dreg:$0x4]  }
0x1c: {  	s7 =	rddreg [dreg:$0x5];
	s5 =	sshrl.u32 s5, $0x3  }
0x1d: {  	[spmem:s5], [sflag:s6] =	dma.local [hbm:s7], $0x2700  }
0x1e: {  	_ =	swait.ge [sflag:s18], $0x2700  }
0x1f: {  	[sflag:s18] =	ssyncset.done $0x0;
	s7 =	rddreg [dreg:$0x6]  }
0x20: {  	s8 =	rddreg [dreg:$0x7];
	[sflag:s18] =	ssyncadd.s32 $0xFFFFD900;
	s7 =	sshrl.u32 @!p0 s7, $0x3  }
0x21: {  	[spmem:s7], [sflag:s6] =	dma.local @!p0 [hbm:s8], $0x100  }
0x22: {  	s8 =	simm.s32 @!p0 $0x3  }
0x23: {  	_ =	swait.ge @!p0 [sflag:s8], $0x100  }
0x24: {  	[sflag:s8] =	ssyncset.done @!p0 $0x0  }
0x25: {  	[sflag:s8] =	ssyncadd.s32 @!p0 $0xFFFFFF00  }
0x26: {  	s9 =	sadd.s32 $0x0, s15;
	[bflag:$0x0] =	sbarrier.arrive $0xFFFF  }
0x27: {  	[tilespmem:s19], [sflag:$0x3] =	stream.linear.gather [hbm4b:s9+s2], $0x80, $0x38;
	[tilespmem:$0x1C380] =	vst v63  }
0x28: {  	_ =	swait.ge [sflag:s18], $0x80  }
0x29: {  	[sflag:s18] =	ssyncset.done $0x0  }
0x2a: {  	s10 =	sadd.s32 $0x0, s14;
	[sflag:s18] =	ssyncadd.s32 $0xFFFFFF80  }
0x2b: {  	[tilespmem:s20], [sflag:$0x3] =	stream.linear.gather [hbm4b:s10+s2], $0x80, $0x38;
	[tilespmem:$0x1C380] =	vst v63  }
0x2c: {  	_ =	swait.ge [sflag:s18], $0x80  }
0x2d: {  	[sflag:s18] =	ssyncset.done $0x0  }
0x2e: {  	[sflag:s18] =	ssyncadd.s32 $0xFFFFFF80  }
0x2f: {  	[tilespmem:s22], [sflag:$0x1] =	stream.indirect.gather [hbm4b:s3+s21], $0x80, s19, s21, $0xb8;
	[tilespmem:$0x1C380] =	vst v63  }
0x30: {  	s11 =	sadd.s32 $0x0, s17  }
0x31: {  	[tilespmem:s23], [sflag:$0x3] =	stream.linear.gather [hbm4b:s11+s2], $0x80, $0x38;
	[tilespmem:$0x1C380] =	vst v63  }
0x32: {  	_ =	swait.ge [sflag:s18], $0x80  }
0x33: {  	[sflag:s18] =	ssyncset.done $0x0  }
0x34: {  	s12 =	sadd.s32 $0x0, s16;
	[sflag:s18] =	ssyncadd.s32 $0xFFFFFF80  }
0x35: {  	[tilespmem:s24], [sflag:$0x3] =	stream.linear.gather [hbm4b:s12+s2], $0x80, $0x38;
	[tilespmem:$0x1C380] =	vst v63  }
0x36: {  	_ =	swait.ge [sflag:s18], $0x80  }
0x37: {  	[sflag:s18] =	ssyncset.done $0x0  }
0x38: {  	[sflag:s18] =	ssyncadd.s32 $0xFFFFFF80  }
0x39: {  	[tilespmem:s25], [sflag:$0x2] =	stream.indirect.gather [hbm4b:s3+s21], $0x80, s23, s21, $0xb8;
	[tilespmem:$0x1C380] =	vst v63  }
0x3a: {  	_ =	swait.ge [sflag:s26], $0x4000  }
0x3b: {  	[sflag:s26] =	ssyncset.done $0x0  }
0x3c: {  	[sflag:s26] =	ssyncadd.s32 $0xFFFFC000  }
0x3d: {  	[spmem:s1] =	stream.indirect.scatter.add.f32 [tilespmem:s22], [sflag:$0x3], $0x80, s20, s21, $0xb8;
	[tilespmem:$0x1C380] =	vst v63  }
0x3e: {  	_ =	swait.ge [sflag:s18], $0x4000  }
0x3f: {  	[sflag:s18] =	ssyncset.done $0x0  }
0x40: {  	[sflag:s18] =	ssyncadd.s32 $0xFFFFC000  }
0x41: {  	_ =	swait.ge [sflag:s28], $0x4000  }
0x42: {  	[sflag:s28] =	ssyncset.done $0x0  }
0x43: {  	[sflag:s28] =	ssyncadd.s32 $0xFFFFC000  }
0x44: {  	[spmem:s1] =	stream.indirect.scatter.add.f32 [tilespmem:s25], [sflag:$0x3], $0x80, s24, s21, $0xb8;
	[tilespmem:$0x1C380] =	vst v63  }
0x45: {  	_ =	swait.ge [sflag:s18], $0x4000  }
0x46: {  	s8 =	simm.s32 $0x20;
	s9 =	simm.s32 $0x40;
	[sflag:s18] =	ssyncset.done $0x0  }
.LBB2_2:
0x47: {  	s11 =	sadd.s32 s8, s15  }
0x48: {  	[sflag:s18] =	ssyncadd.s32 $0xFFFFC000;
	s12 =	smov.u32 s9;
	s10 =	sadd.s32 $0x20, s9  }
0x49: {  	[tilespmem:s19], [sflag:$0x3] =	stream.linear.gather [hbm4b:s11+s2], $0x80, $0x38;
	[tilespmem:$0x1C380] =	vst v63  }
0x4a: {  	p1 =	sne.s32 s9, $0x4C0;
	_ =	swait.ge [sflag:s18], $0x80  }
0x4b: {  	[sflag:s18] =	ssyncset.done $0x0  }
0x4c: {  	s9 =	sadd.s32 s8, s14;
	[sflag:s18] =	ssyncadd.s32 $0xFFFFFF80  }
0x4d: {  	[tilespmem:s20], [sflag:$0x3] =	stream.linear.gather [hbm4b:s9+s2], $0x80, $0x38;
	[tilespmem:$0x1C380] =	vst v63  }
0x4e: {  	_ =	swait.ge [sflag:s18], $0x80  }
0x4f: {  	[sflag:s18] =	ssyncset.done $0x0  }
0x50: {  	[sflag:s18] =	ssyncadd.s32 $0xFFFFFF80  }
0x51: {  	[tilespmem:s22], [sflag:$0x1] =	stream.indirect.gather [hbm4b:s3+s21], $0x80, s19, s21, $0xb8;
	[tilespmem:$0x1C380] =	vst v63  }
0x52: {  	s9 =	sadd.s32 s8, s17  }
0x53: {  	[tilespmem:s23], [sflag:$0x3] =	stream.linear.gather [hbm4b:s9+s2], $0x80, $0x38;
	[tilespmem:$0x1C380] =	vst v63  }
0x54: {  	_ =	swait.ge [sflag:s18], $0x80  }
0x55: {  	[sflag:s18] =	ssyncset.done $0x0  }
0x56: {  	s9 =	sadd.s32 s8, s16;
	s8 =	smov.u32 s12;
	[sflag:s18] =	ssyncadd.s32 $0xFFFFFF80  }
0x57: {  	[tilespmem:s24], [sflag:$0x3] =	stream.linear.gather [hbm4b:s9+s2], $0x80, $0x38;
	[tilespmem:$0x1C380] =	vst v63  }
0x58: {  	_ =	swait.ge [sflag:s18], $0x80  }
0x59: {  	[sflag:s18] =	ssyncset.done $0x0  }
0x5a: {  	[sflag:s18] =	ssyncadd.s32 $0xFFFFFF80  }
0x5b: {  	[tilespmem:s25], [sflag:$0x2] =	stream.indirect.gather [hbm4b:s3+s21], $0x80, s23, s21, $0xb8;
	[tilespmem:$0x1C380] =	vst v63  }
0x5c: {  	_ =	swait.ge [sflag:s26], $0x4000  }
0x5d: {  	[sflag:s26] =	ssyncset.done $0x0  }
0x5e: {  	[sflag:s26] =	ssyncadd.s32 $0xFFFFC000  }
0x5f: {  	[spmem:s1] =	stream.indirect.scatter.add.f32 [tilespmem:s22], [sflag:$0x3], $0x80, s20, s21, $0xb8;
	[tilespmem:$0x1C380] =	vst v63  }
0x60: {  	_ =	swait.ge [sflag:s18], $0x4000  }
0x61: {  	[sflag:s18] =	ssyncset.done $0x0  }
0x62: {  	[sflag:s18] =	ssyncadd.s32 $0xFFFFC000  }
0x63: {  	_ =	swait.ge [sflag:s28], $0x4000  }
.Ltmp0:
0x64: {  	[sflag:s28] =	ssyncset.done $0x0;
	(pc) =	sbr.rel @p1 .LBB2_2-.Ltmp0, $4  }
0x65: {  	[sflag:s28] =	ssyncadd.s32 $0xFFFFC000  }
0x66: {  	[spmem:s1] =	stream.indirect.scatter.add.f32 [tilespmem:s25], [sflag:$0x3], $0x80, s24, s21, $0xb8;
	[tilespmem:$0x1C380] =	vst v63  }
0x67: {  	_ =	swait.ge [sflag:s18], $0x4000  }
0x68: {  	s9 =	smov.u32 s10;
	[sflag:s18] =	ssyncset.done $0x0  }
0x69: {  	s9 =	sadd.s32 s8, s15;
	[sflag:s18] =	ssyncadd.s32 $0xFFFFC000  }
0x6a: {  	[tilespmem:s19], [sflag:$0x3] =	stream.linear.gather [hbm4b:s9+s2], $0x80, $0x38;
	[tilespmem:$0x1C380] =	vst v63  }
0x6b: {  	_ =	swait.ge [sflag:s18], $0x80  }
0x6c: {  	[sflag:s18] =	ssyncset.done $0x0  }
0x6d: {  	s11 =	sadd.s32 s8, s14;
	[sflag:s18] =	ssyncadd.s32 $0xFFFFFF80  }
0x6e: {  	[tilespmem:s20], [sflag:$0x3] =	stream.linear.gather [hbm4b:s11+s2], $0x80, $0x38;
	[tilespmem:$0x1C380] =	vst v63  }
0x6f: {  	_ =	swait.ge [sflag:s18], $0x80  }
0x70: {  	[sflag:s18] =	ssyncset.done $0x0  }
0x71: {  	[sflag:s18] =	ssyncadd.s32 $0xFFFFFF80  }
0x72: {  	[tilespmem:s22], [sflag:$0x1] =	stream.indirect.gather [hbm4b:s3+s21], $0x80, s19, s21, $0xb8;
	[tilespmem:$0x1C380] =	vst v63  }
0x73: {  	s12 =	sadd.s32 s8, s17  }
0x74: {  	[tilespmem:s23], [sflag:$0x3] =	stream.linear.gather [hbm4b:s12+s2], $0x80, $0x38;
	[tilespmem:$0x1C380] =	vst v63  }
0x75: {  	_ =	swait.ge [sflag:s18], $0x80  }
0x76: {  	[sflag:s18] =	ssyncset.done $0x0  }
0x77: {  	s9 =	sadd.s32 s8, s16;
	[sflag:s18] =	ssyncadd.s32 $0xFFFFFF80  }
0x78: {  	[tilespmem:s24], [sflag:$0x3] =	stream.linear.gather [hbm4b:s9+s2], $0x80, $0x38;
	[tilespmem:$0x1C380] =	vst v63  }
0x79: {  	_ =	swait.ge [sflag:s18], $0x80  }
0x7a: {  	[sflag:s18] =	ssyncset.done $0x0  }
0x7b: {  	[sflag:s18] =	ssyncadd.s32 $0xFFFFFF80  }
0x7c: {  	[tilespmem:s25], [sflag:$0x2] =	stream.indirect.gather [hbm4b:s3+s21], $0x80, s23, s21, $0xb8;
	[tilespmem:$0x1C380] =	vst v63  }
0x7d: {  	_ =	swait.ge [sflag:s26], $0x4000  }
0x7e: {  	[sflag:s26] =	ssyncset.done $0x0  }
0x7f: {  	[sflag:s26] =	ssyncadd.s32 $0xFFFFC000  }
0x80: {  	[spmem:s1] =	stream.indirect.scatter.add.f32 [tilespmem:s22], [sflag:$0x3], $0x80, s20, s21, $0xb8;
	[tilespmem:$0x1C380] =	vst v63  }
0x81: {  	_ =	swait.ge [sflag:s18], $0x4000  }
0x82: {  	[sflag:s18] =	ssyncset.done $0x0  }
0x83: {  	[sflag:s18] =	ssyncadd.s32 $0xFFFFC000  }
0x84: {  	_ =	swait.ge [sflag:s28], $0x4000  }
0x85: {  	[sflag:s28] =	ssyncset.done $0x0  }
0x86: {  	[sflag:s28] =	ssyncadd.s32 $0xFFFFC000  }
0x87: {  	[spmem:s1] =	stream.indirect.scatter.add.f32 [tilespmem:s25], [sflag:$0x3], $0x80, s24, s21, $0xb8;
	[tilespmem:$0x1C380] =	vst v63  }
0x88: {  	_ =	swait.ge [sflag:s18], $0x4000  }
0x89: {  	[sflag:s18] =	ssyncset.done $0x0  }
0x8a: {  	s10 =	rddreg [dreg:$0x8];
	[sflag:s18] =	ssyncadd.s32 $0xFFFFC000  }
0x8b: {  	[tilespmem:s29], [sflag:$0x3] =	stream.linear.gather [hbm4b:s10+s2], $0x10, $0x38;
	[tilespmem:$0x1C380] =	vst v63  }
0x8c: {  	_ =	swait.ge [sflag:s18], $0x10  }
0x8d: {  	[sflag:s18] =	ssyncset.done $0x0  }
0x8e: {  	s11 =	rddreg [dreg:$0x9];
	[sflag:s18] =	ssyncadd.s32 $0xFFFFFFF0  }
0x8f: {  	[tilespmem:s30], [sflag:$0x3] =	stream.linear.gather [hbm4b:s11+s2], $0x10, $0x38;
	[tilespmem:$0x1C380] =	vst v63  }
0x90: {  	_ =	swait.ge [sflag:s18], $0x10  }
0x91: {  	[sflag:s18] =	ssyncset.done $0x0  }
0x92: {  	[sflag:s18] =	ssyncadd.s32 $0xFFFFFFF0  }
0x93: {  	[tilespmem:s0], [sflag:$0x1] =	stream.indirect.gather [hbm4b:s3+s31], $0x80, s29, s31, $0xb8;
	[tilespmem:$0x1C380] =	vst v63  }
0x94: {  	_ =	swait.ge [sflag:s26], $0x800  }
0x95: {  	[sflag:s26] =	ssyncset.done $0x0  }
0x96: {  	[sflag:s26] =	ssyncadd.s32 $0xFFFFF800  }
0x97: {  	[spmem:s1] =	stream.indirect.scatter.add.f32 [tilespmem:s0], [sflag:$0x3], $0x80, s30, s31, $0xb8;
	[tilespmem:$0x1C380] =	vst v63  }
0x98: {  	_ =	swait.ge [sflag:s18], $0x800  }
0x99: {  	[sflag:s18] =	ssyncset.done $0x0  }
0x9a: {  	[sflag:s18] =	ssyncadd.s32 $0xFFFFF800  }
0x9b: {  	[bflag:$0x0] =	sbarrier.arrive $0xFFFF  }
0x9c: {  	s12 =	rddreg [dreg:$0xa]  }
0x9d: {  	[hbm:s12], [sflag:s6] =	dma.local [spmem:s5], $0x2700  }
0x9e: {  	_ =	swait.ge [sflag:s18], $0x2700  }
0x9f: {  	s4 =	sadd.s32 $0x1, s4;
	[sflag:s18] =	ssyncset.done $0x0  }
0xa0: {  	p1 =	sne.s32 s4, s13;
	s5 =	rddreg [dreg:$0xb];
	[sflag:s18] =	ssyncadd.s32 $0xFFFFD900  }
0xa1: {  	[hbm:s5], [sflag:s6] =	dma.local @!p0 [spmem:s7], $0x100  }
.Ltmp1:
0xa2: {  	_ = 	snop;
	(pc) =	sbr.rel @p1 .LBB2_1-.Ltmp1, $4  }
0xa3: {  	s5 =	simm.s32 @!p0 $0x3  }
0xa4: {  	_ =	swait.ge @!p0 [sflag:s5], $0x100  }
0xa5: {  	[sflag:s5] =	ssyncset.done @!p0 $0x0  }
0xa6: {  	[sflag:s5] =	ssyncadd.s32 @!p0 $0xFFFFFF00  }
0xa7: {  	_ =	sfence.sel $0x180000  }
0xa8: {  	[bflag:$0x0] =	sbarrier.arrive $0xFFFF  }
0xa9: {  	_ =	strace $0x9000004A  }
0xaa: {  	[bflag:$0x2] =	sbarrier.arrive $0xFFFF  }
0xab: {  	s0 =	rddreg [dreg:$0x3]  }
0xac: {  	s0 =	sadd.s32 @!p0 $0x100000, s0  }
0xad: {  	[sflag:s0] =	ssyncadd.tile.s32 @!p0 $0x1;
	_ =	shalt  }
.Lfunc_end2:
_tile_overlayer_lowered:
.L_overlay_start_2:
0xae: {  	(tag) =	ssettag $0x2  }
0xaf: {  	s0 =	rddreg [dreg:$0x0];
	s2 =	stileid.u32  }
0xb0: {  	s1 =	rddreg [dreg:$0x1];
	p0 =	sne.s32 s2, $0x0  }
0xb1: {  	s3 =	rddreg [dreg:$0x2];
	[bflag:$0x3] =	sbarrier.arrive $0xFFFF;
	s2 =	simm.s32 @!p0 $0x1C03  }
0xb2: {  	[timem:s3], [sflag:s2] =	dma.local @!p0 [hbm:s0], s1  }
0xb3: {  	s0 =	simm.s32 @!p0 $0x3  }
0xb4: {  	_ =	swait.ge @!p0 [sflag:s0], s1  }
0xb5: {  	s1 =	ssub.s32 @!p0 $0x0, s1;
	[sflag:s0] =	ssyncset.done @!p0 $0x0  }
0xb6: {  	[sflag:s0] =	ssyncadd.s32 @!p0 s1  }
0xb7: {  	[bflag:$0x3] =	sbarrier.arrive $0xFFFF  }
0xb8: {  	_ =	shalt  }

// kernel: kernel.14.cloned.1.call-start
scs
__scs_entry_jumppad:
0x0: {  	(pc) =	sbr.rel $0x88, $3  }
0x1: {  	(tag) =	ssettag $0x0;
	lr =	simm.s32 $0x1  }
0x2: {  	[smem:$0x3F9B] =	sst lr;
	_ =	strace $0xD0000000  }
0x3: {  	_ = 	snop  }
0x4: {  	_ = 	snop  }
0x5: {  	_ = 	snop  }
0x6: {  	_ = 	snop  }
0x7: {  	_ = 	snop  }
__scs_overlays_trampoline_lowered:
0x8: {  	[smem:$0x3FAA] =	sst s0  }
0x9: {  	[smem:$0x3FAB] =	sst s1  }
0xa: {  	[smem:$0x3FAC] =	sst s2  }
0xb: {  	[smem:$0x3FAD] =	sst s3  }
0xc: {  	[smem:$0x3FAE] =	sst s4  }
0xd: {  	[smem:$0x3FAF] =	sst s5  }
0xe: {  	[smem:$0x3FB0] =	sst s6  }
0xf: {  	[smem:$0x3FB1] =	sst s7  }
0x10: {  	[smem:$0x3FB2] =	sst s8  }
0x11: {  	[smem:$0x3FB3] =	sst s9;
	s0 =	simm.s32 @!p0 $0x0  }
0x12: {  	s1 =	sld [smem:$0x3F99];
	s0 =	simm.s32 @p0 $0x1  }
0x13: {  	[smem:$0x3FB4] =	sst s0;
	s0 =	simm.s32 @!p1 $0x0  }
0x14: {  	s2 =	sld [smem:$0x3F98];
	s0 =	simm.s32 @p1 $0x1  }
0x15: {  	[smem:$0x3FB5] =	sst s0;
	s0 =	simm.s32 @!p2 $0x0  }
0x16: {  	s3 =	sld [smem:$0x3FDB];
	s0 =	simm.s32 @p2 $0x1  }
0x17: {  	s4 =	simm.s32 $0x1BF5;
	[smem:$0x3FB7] =	sst s0  }
0x18: {  	s0 =	sld [smem:$0x3F9A];
	_ =	swait.ge [sflag:s4], $0x0  }
0x19: {  	s7 =	sld [smem:$0x3F9B]  }
0x1a: {  	s8 =	sadd.s32 $0xFFFFE003, lr  }
0x1b: {  	s9 =	sadd.s32 $0xFFFFFEF7, lr;
	s5 =	simm.s32 $0xFFFFFFFF;
	p2 =	slt.u32 s8, $0xFFFFF086  }
0x1c: {  	p1 =	slt.u32 s9, $0xF7A;
	s5 =	simm.s32 @!p2 $0x0  }
0x1d: {  	s5 =	simm.s32 @p1 $0x1;
	p0 =	seq.s32 s7, s2  }
0x1e: {  	s7 =	smul.u32 @!p0 $0xF7A, s2;
	p2 =	seq.s32 @!p0 s5, $0x0  }
0x1f: {  	s9 =	smul.u32 $0xF7A, s1;
	s8 =	simm.s32 @!p0 $0x1BF5;
	p2 =	por !p2, p0  }
0x20: {  	[sflag:s8] =	ssyncset.s32 @!p0 $0xFFFFF086;
	s6 =	sadd.s32 @!p0 s3, s7;
	s7 =	simm.s32 @!p0 $0x108  }
0x21: {  	s3 =	sadd.s32 s3, s9;
	s6 =	sadd.s32 @!p0 $0x88, s6;
	s7 =	simm.s32 @p2 $0x1082  }
0x22: {  	[simem:s7], [sflag:s8] =	dma.local @!p0 [hbm:s6], $0xF7A  }
0x23: {  	s9 =	sor.u32 $0xD0000000, s2;
	s6 =	simm.s32 $0x108;
	_ =	swait.ge @!p0 [sflag:s8], $0x0  }
0x24: {  	s3 =	sadd.s32 $0x88, s3;
	s6 =	simm.s32 @!p1 $0x1082;
	[sflag:s4] =	ssyncset.s32 $0xFFFFF086  }
0x25: {  	[simem:s6], [sflag:s4] =	dma.local [hbm:s3], $0xF7A  }
0x26: {  	[smem:$0x3F9B] =	sst s1;
	(tag) =	ssettag s2;
	_ =	strace s9  }
0x27: {  	s1 =	sld [smem:$0x3FAB]  }
0x28: {  	s2 =	sld [smem:$0x3FAC]  }
0x29: {  	s4 =	sld [smem:$0x3FAE]  }
0x2a: {  	p0 =	seq.s32 s5, $0x0;
	s5 =	sld [smem:$0x3FAF]  }
0x2b: {  	s6 =	sld [smem:$0x3FB0]  }
0x2c: {  	s7 =	sld [smem:$0x3FB1]  }
0x2d: {  	s3 =	simm.s32 $0x108;
	s8 =	sld [smem:$0x3FB2]  }
0x2e: {  	s3 =	simm.s32 @!p0 $0x1082;
	s9 =	sld [smem:$0x3FB3]  }
0x2f: {  	lr =	sadd.s32 s0, s3;
	s0 =	sld [smem:$0x3FAA]  }
0x30: {  	s3 =	sld [smem:$0x3FAD]  }
0x31: {  	[smem:$0x3FB6] =	sst s10  }
0x32: {  	s10 =	sld [smem:$0x3FB4];
	_ =	sdelay $0x3  }
0x33: {  	p0 =	seq.s32 s10, $0x1;
	s10 =	sld [smem:$0x3FB6];
	_ =	sdelay $0x3  }
0x34: {  	[smem:$0x3FB6] =	sst s10  }
0x35: {  	s10 =	sld [smem:$0x3FB5];
	_ =	sdelay $0x3  }
0x36: {  	p1 =	seq.s32 s10, $0x1;
	s10 =	sld [smem:$0x3FB6];
	_ =	sdelay $0x3  }
0x37: {  	[smem:$0x3FB6] =	sst s10  }
0x38: {  	s10 =	sld [smem:$0x3FB7]  }
0x39: {  	_ = 	snop;
	(pc) =	sbr.ind lr, $3  }
0x3a: {  	_ = 	snop  }
0x3b: {  	_ = 	snop  }
0x3c: {  	p2 =	seq.s32 s10, $0x1;
	s10 =	sld [smem:$0x3FB6]  }
0x3d: {  	_ =	shalt  }
0x3e: {  	_ =	shalt  }
0x3f: {  	_ =	shalt  }
0x40: {  	_ =	shalt  }
0x41: {  	_ =	shalt  }
0x42: {  	_ =	shalt  }
0x43: {  	_ =	shalt  }
0x44: {  	_ =	shalt  }
0x45: {  	_ =	shalt  }
0x46: {  	_ =	shalt  }
0x47: {  	_ =	shalt  }
0x48: {  	_ =	shalt  }
0x49: {  	_ =	shalt  }
0x4a: {  	_ =	shalt  }
0x4b: {  	_ =	shalt  }
0x4c: {  	_ =	shalt  }
0x4d: {  	_ =	shalt  }
0x4e: {  	_ =	shalt  }
0x4f: {  	_ =	shalt  }
0x50: {  	_ =	shalt  }
0x51: {  	_ =	shalt  }
0x52: {  	_ =	shalt  }
0x53: {  	_ =	shalt  }
0x54: {  	_ =	shalt  }
0x55: {  	_ =	shalt  }
0x56: {  	_ =	shalt  }
0x57: {  	_ =	shalt  }
0x58: {  	_ =	shalt  }
0x59: {  	_ =	shalt  }
0x5a: {  	_ =	shalt  }
0x5b: {  	_ =	shalt  }
0x5c: {  	_ =	shalt  }
0x5d: {  	_ =	shalt  }
0x5e: {  	_ =	shalt  }
0x5f: {  	_ =	shalt  }
0x60: {  	_ =	shalt  }
0x61: {  	_ =	shalt  }
0x62: {  	_ =	shalt  }
0x63: {  	_ =	shalt  }
0x64: {  	_ =	shalt  }
0x65: {  	_ =	shalt  }
0x66: {  	_ =	shalt  }
0x67: {  	_ =	shalt  }
0x68: {  	_ =	shalt  }
0x69: {  	_ =	shalt  }
0x6a: {  	_ =	shalt  }
0x6b: {  	_ =	shalt  }
0x6c: {  	_ =	shalt  }
0x6d: {  	_ =	shalt  }
0x6e: {  	_ =	shalt  }
0x6f: {  	_ =	shalt  }
0x70: {  	_ =	shalt  }
0x71: {  	_ =	shalt  }
0x72: {  	_ =	shalt  }
0x73: {  	_ =	shalt  }
0x74: {  	_ =	shalt  }
0x75: {  	_ =	shalt  }
0x76: {  	_ =	shalt  }
0x77: {  	_ =	shalt  }
0x78: {  	_ =	shalt  }
0x79: {  	_ =	shalt  }
0x7a: {  	_ =	shalt  }
0x7b: {  	_ =	shalt  }
0x7c: {  	_ =	shalt  }
0x7d: {  	_ =	shalt  }
0x7e: {  	_ =	shalt  }
0x7f: {  	_ =	shalt  }
0x80: {  	_ =	shalt  }
0x81: {  	_ =	shalt  }
0x82: {  	_ =	shalt  }
0x83: {  	_ =	shalt  }
0x84: {  	_ =	shalt  }
0x85: {  	_ =	shalt  }
0x86: {  	_ =	shalt  }
0x87: {  	_ =	shalt  }
.Lfunc_end0:
.L_simem_size_0:
called_computation.2_lowered:
.L_overlay_start_0:
0x88: {  	s2 =	sld [smem:$0x3FD9]  }
0x89: {  	s3 =	sld [smem:$0x3FFE];
	_ =	sdelay $0x1  }
0x8a: {  	s1 =	srdreg.scid  }
0x8b: {  	s0 =	sand.u32 $0x1, s1  }
0x8c: {  	s17 =	sshll.u32 s0, $0xA;
	s2 =	sadd.s32 s3, s2  }
0x8d: {  	s2 =	sadd.s32 s2, s17  }
0x8e: {  	[smem:$0x3FC2] =	sst s2  }
0x8f: {  	_ = 	snop  }
0x90: {  	s2 =	sld [smem:$0x3FD0];
	(tm) =	ssettm $0x1  }
0x91: {  	s18 =	sld [smem:$0x3FFB];
	_ =	sdelay $0x3  }
0x92: {  	_ =	strace s18  }
0x93: {  	s3 =	sld [smem:$0x3FFC];
	_ =	sdelay $0x3  }
0x94: {  	_ =	strace s3  }
0x95: {  	s3 =	sld [smem:$0x3FFD];
	_ =	sdelay $0x3  }
0x96: {  	_ =	strace s3  }
0x97: {  	_ =	strace $0x8FFFFFFF  }
0x98: {  	s19 =	sld [smem:$0x3FDB];
	_ =	sdelay $0x1  }
0x99: {  	s4 =	simm.s32 $_scs_section_size  }
0x9a: {  	s5 =	simm.s32 $_size__tile_overlayer_lowered;
	s6 =	simm.s32 $_tile_overlayer_lowered  }
0x9b: {  	s22 =	simm.s32 $0x1BFF;
	s21 =	sshll.u32 s6, $0x1;
	s3 =	sadd.s32 s4, s19  }
0x9c: {  	s7 =	simm.s32 $0x0;
	s20 =	sshll.u32 s5, $0x1;
	s5 =	sadd.s32 s21, s3  }
0x9d: {  	[timem:s7], [sflag:s22] =	dma.local [hbm:s5], s20  }
0x9e: {  	_ =	swait.ge [sflag:s22], s20  }
0x9f: {  	s4 =	ssub.s32 $0x0, s20;
	[sflag:s22] =	ssyncset.done $0x0  }
0xa0: {  	[sflag:s22] =	ssyncadd.s32 s4;
	_ =	sdelay $0x1  }
0xa1: {  	s23 =	simm.s32 $0x1B8B  }
0xa2: {  	_ =	swait.ge [sflag:s23], $0x1  }
0xa3: {  	[sflag:s23] =	ssyncset.done $0x0  }
0xa4: {  	s25 =	simm.s32 $0x1B8E;
	s24 =	sld [smem:$0x3FFE];
	[sflag:s23] =	ssyncadd.s32 $0xFFFFFFFF  }
0xa5: {  	s26 =	simm.s32 $execute0_lowered;
	[smem:$0x3FD2] =	sst s25  }
0xa6: {  	s5 =	sshll.u32 s26, $0x1;
	_ =	strace $0x8000004C;
	[dreg:$0x1] =	wrdreg $0xFFFFFFFF  }
0xa7: {  	s28 =	simm.s32 $_size_execute0_lowered;
	s3 =	sadd.s32 s3, s5;
	[dreg:$0x0] =	wrdreg $0x0  }
0xa8: {  	s5 =	sshll.u32 s28, $0x1;
	[dreg:$0x2] =	wrdreg s3  }
0xa9: {  	[dreg:$0x3] =	wrdreg s5  }
0xaa: {  	[dreg:$0x4] =	wrdreg $0xC0  }
0xab: {  	_ =	task [dreg:s7], $0x5FFFF  }
0xac: {  	[dreg:$0x1] =	wrdreg $0xFFFFFFFF  }
0xad: {  	[dreg:$0x0] =	wrdreg $0x60  }
0xae: {  	[dreg:$0x2] =	wrdreg s24  }
0xaf: {  	[dreg:$0x3] =	wrdreg s2  }
0xb0: {  	[dreg:$0x4] =	wrdreg $0x0  }
0xb1: {  	[dreg:$0x5] =	wrdreg $0x9  }
0xb2: {  	_ =	task.clear_ibuf [dreg:s7], $0x6FFFF;
	_ =	strace $0x9000004C  }
0xb3: {  	s29 =	simm.s32 $0x9;
	_ =	strace $0x8000004E  }
0xb4: {  	_ =	swait.ge [sflag:s29], $0x1  }
0xb5: {  	[sflag:s29] =	ssyncadd.s32 $0xFFFFFFFF  }
0xb6: {  	_ =	strace $0x9000004E  }
0xb7: {  	_ =	sfence  }
0xb8: {  	s30 =	sld [smem:$0x0];
	_ =	sdelay $0x2  }
0xb9: {  	s31 =	sshll.u32 s1, $0xD;
	s1 =	sshrl.u32 s1, $0x2  }
0xba: {  	s3 =	sand.u32 $0x4000, s31;
	s1 =	sadd.s32 s1, s30  }
0xbb: {  	s0 =	sor.u32 s3, s0;
	s1 =	sshll.u32 s1, $0x11  }
0xbc: {  	s0 =	sor.u32 s1, s0  }
0xbd: {  	s0 =	sadd.s32 $0x8F2B, s0  }
0xbe: {  	[sflag:s0] =	ssyncadd.remote.s32 $0x1  }
0xbf: {  	_ =	sfence.sel $0xFFFF  }
0xc0: {  	[dreg:$0x0] =	wrdreg $0xFFFFFFFF;
	(pc) =	sbr.abs _section_cstart, $3  }
0xc1: {  	[dreg:$0x1] =	wrdreg $0xFFFFFFFF  }
0xc2: {  	_ =	task.clear_ibuf [dreg:s7], $0x2FFFF;
	_ =	strace $0x9FFFFFFF  }
0xc3: {  	(tm) =	ssettm $0x7FFFFFFF  }
tec
execute0_lowered:
.L_overlay_start_1:
0x0: {  	(tag) =	ssettag $0x1  }
0x1: {  	s0 =	rddreg [dreg:$0x0]  }
0x2: {  	s4 =	rddreg [dreg:$0x1]  }
0x3: {  	s1 =	rddreg [dreg:$0x2];
	s2 =	simm.s32 $0x0;
	s6 =	srdreg.scid  }
0x4: {  	s8 =	stileid.u32;
	s28 =	simm.s32 $0x2;
	s29 =	simm.s32 $0x1C280  }
0x5: {  	s30 =	simm.s32 $0x1C300;
	s31 =	simm.s32 $0x10;
	[smem:$0x7FF] =	sst s2  }
0x6: {  	s3 =	sadd.s32 $0xC000, s0;
	s5 =	sadd.s32 $0x2200, s0;
	s11 =	smul.u32 $0x4E000, s8  }
0x7: {  	s7 =	sadd.s32 $0x81400, s0;
	s9 =	sand.u32 $0x1, s6;
	s13 =	smul.u32 $0x13800, s8  }
0x8: {  	s17 =	sshll.u32 s8, $0x6;
	s18 =	sadd.s32 $0x138000, s1;
	s0 =	sadd.s32 $0x33000, s0  }
0x9: {  	s23 =	smul.u32 $0x2710, s8;
	p0 =	sne.s32 s8, $0x0;
	_ =	strace $0x8000004D  }
0xa: {  	s6 =	ssub.s32 $0x2, s9;
	[dreg:$0x6] =	wrdreg s18;
	s19 =	smul.u32 $0x138800, s9  }
0xb: {  	s10 =	sshll.u32 s9, $0x4;
	[dreg:$0x7] =	wrdreg s0;
	s21 =	smul.u32 $0x27100, s9  }
0xc: {  	s18 =	simm.s32 $0x3;
	s12 =	sshrl.u32 s6, $0x1;
	s10 =	sor.u32 s8, s10  }
0xd: {  	s15 =	sshrl.u32 s11, $0x2;
	s16 =	sshrl.u32 s13, $0x3;
	s14 =	ssub.s32 s6, s12  }
0xe: {  	s10 =	smul.u32 $0x2710, s10;
	s6 =	sadd.s32 s15, s1;
	s22 =	sadd.s32 s13, s19  }
0xf: {  	s11 =	sshrl.u32 s19, $0x3;
	s0 =	sadd.s32 s23, s21;
	s19 =	simm.s32 $0x1B880  }
0x10: {  	s21 =	simm.s32 $0x80;
	s23 =	simm.s32 $0x1B980;
	[dreg:$0x4] =	wrdreg s6  }
0x11: {  	s6 =	sadd.s32 s3, s16;
	s9 =	sshrl.u32 s22, $0x3;
	s24 =	sadd.s32 s7, s11  }
0x12: {  	s13 =	smax.u32 s14, $0x1;
	s26 =	sshrl.u32 s0, $0x3;
	s0 =	sadd.s32 $0x80, s0  }
0x13: {  	s22 =	simm.s32 $0x13880;
	[dreg:$0x5] =	wrdreg s6;
	s6 =	sor.u32 $0x1C03, s17  }
0x14: {  	s10 =	sshrl.u32 s10, $0x3;
	s7 =	sadd.s32 s7, s9;
	s25 =	sadd.s32 $0x27000, s24  }
0x15: {  	s14 =	sadd.s32 s26, s4;
	s15 =	sadd.s32 s26, s5;
	s0 =	sshrl.u32 s0, $0x3  }
0x16: {  	s24 =	simm.s32 $0x1BA00;
	s26 =	simm.s32 $0x1;
	[dreg:$0xa] =	wrdreg s7  }
0x17: {  	s10 =	sadd.s32 $0x4E0, s10;
	[dreg:$0xb] =	wrdreg s25;
	s16 =	sadd.s32 s0, s4  }
0x18: {  	s17 =	sadd.s32 s0, s5;
	s25 =	simm.s32 $0x17880;
	s20 =	sadd.s32 s5, s10  }
0x19: {  	s0 =	simm.s32 $0x1BA80;
	s10 =	sadd.s32 s4, s10;
	[dreg:$0x8] =	wrdreg s20  }
0x1a: {  	s4 =	simm.s32 $0x0;
	[dreg:$0x9] =	wrdreg s10;
	s20 =	simm.s32 $0x1B900  }
.LBB2_1:
0x1b: {  	s5 =	rddreg [dreg:$0x4]  }
0x1c: {  	s7 =	rddreg [dreg:$0x5];
	s5 =	sshrl.u32 s5, $0x3  }
0x1d: {  	[spmem:s5], [sflag:s6] =	dma.local [hbm:s7], $0x2700  }
0x1e: {  	_ =	swait.ge [sflag:s18], $0x2700  }
0x1f: {  	[sflag:s18] =	ssyncset.done $0x0;
	s7 =	rddreg [dreg:$0x6]  }
0x20: {  	s8 =	rddreg [dreg:$0x7];
	[sflag:s18] =	ssyncadd.s32 $0xFFFFD900;
	s7 =	sshrl.u32 @!p0 s7, $0x3  }
0x21: {  	[spmem:s7], [sflag:s6] =	dma.local @!p0 [hbm:s8], $0x100  }
0x22: {  	s8 =	simm.s32 @!p0 $0x3  }
0x23: {  	_ =	swait.ge @!p0 [sflag:s8], $0x100  }
0x24: {  	[sflag:s8] =	ssyncset.done @!p0 $0x0  }
0x25: {  	[sflag:s8] =	ssyncadd.s32 @!p0 $0xFFFFFF00  }
0x26: {  	s9 =	sadd.s32 $0x0, s15;
	[bflag:$0x0] =	sbarrier.arrive $0xFFFF  }
0x27: {  	[tilespmem:s19], [sflag:$0x3] =	stream.linear.gather [hbm4b:s9+s2], $0x80, $0x38;
	[tilespmem:$0x1C380] =	vst v63  }
0x28: {  	_ =	swait.ge [sflag:s18], $0x80  }
0x29: {  	[sflag:s18] =	ssyncset.done $0x0  }
0x2a: {  	s10 =	sadd.s32 $0x0, s14;
	[sflag:s18] =	ssyncadd.s32 $0xFFFFFF80  }
0x2b: {  	[tilespmem:s20], [sflag:$0x3] =	stream.linear.gather [hbm4b:s10+s2], $0x80, $0x38;
	[tilespmem:$0x1C380] =	vst v63  }
0x2c: {  	_ =	swait.ge [sflag:s18], $0x80  }
0x2d: {  	[sflag:s18] =	ssyncset.done $0x0  }
0x2e: {  	[sflag:s18] =	ssyncadd.s32 $0xFFFFFF80  }
0x2f: {  	[tilespmem:s22], [sflag:$0x1] =	stream.indirect.gather [hbm4b:s3+s21], $0x80, s19, s21, $0xb8;
	[tilespmem:$0x1C380] =	vst v63  }
0x30: {  	s11 =	sadd.s32 $0x0, s17  }
0x31: {  	[tilespmem:s23], [sflag:$0x3] =	stream.linear.gather [hbm4b:s11+s2], $0x80, $0x38;
	[tilespmem:$0x1C380] =	vst v63  }
0x32: {  	_ =	swait.ge [sflag:s18], $0x80  }
0x33: {  	[sflag:s18] =	ssyncset.done $0x0  }
0x34: {  	s12 =	sadd.s32 $0x0, s16;
	[sflag:s18] =	ssyncadd.s32 $0xFFFFFF80  }
0x35: {  	[tilespmem:s24], [sflag:$0x3] =	stream.linear.gather [hbm4b:s12+s2], $0x80, $0x38;
	[tilespmem:$0x1C380] =	vst v63  }
0x36: {  	_ =	swait.ge [sflag:s18], $0x80  }
0x37: {  	[sflag:s18] =	ssyncset.done $0x0  }
0x38: {  	[sflag:s18] =	ssyncadd.s32 $0xFFFFFF80  }
0x39: {  	[tilespmem:s25], [sflag:$0x2] =	stream.indirect.gather [hbm4b:s3+s21], $0x80, s23, s21, $0xb8;
	[tilespmem:$0x1C380] =	vst v63  }
0x3a: {  	_ =	swait.ge [sflag:s26], $0x4000  }
0x3b: {  	[sflag:s26] =	ssyncset.done $0x0  }
0x3c: {  	[sflag:s26] =	ssyncadd.s32 $0xFFFFC000  }
0x3d: {  	[spmem:s1] =	stream.indirect.scatter.add.f32 [tilespmem:s22], [sflag:$0x3], $0x80, s20, s21, $0xb8;
	[tilespmem:$0x1C380] =	vst v63  }
0x3e: {  	_ =	swait.ge [sflag:s18], $0x4000  }
0x3f: {  	[sflag:s18] =	ssyncset.done $0x0  }
0x40: {  	[sflag:s18] =	ssyncadd.s32 $0xFFFFC000  }
0x41: {  	_ =	swait.ge [sflag:s28], $0x4000  }
0x42: {  	[sflag:s28] =	ssyncset.done $0x0  }
0x43: {  	[sflag:s28] =	ssyncadd.s32 $0xFFFFC000  }
0x44: {  	[spmem:s1] =	stream.indirect.scatter.add.f32 [tilespmem:s25], [sflag:$0x3], $0x80, s24, s21, $0xb8;
	[tilespmem:$0x1C380] =	vst v63  }
0x45: {  	_ =	swait.ge [sflag:s18], $0x4000  }
0x46: {  	s8 =	simm.s32 $0x20;
	s9 =	simm.s32 $0x40;
	[sflag:s18] =	ssyncset.done $0x0  }
.LBB2_2:
0x47: {  	s11 =	sadd.s32 s8, s15  }
0x48: {  	[sflag:s18] =	ssyncadd.s32 $0xFFFFC000;
	s12 =	smov.u32 s9;
	s10 =	sadd.s32 $0x20, s9  }
0x49: {  	[tilespmem:s19], [sflag:$0x3] =	stream.linear.gather [hbm4b:s11+s2], $0x80, $0x38;
	[tilespmem:$0x1C380] =	vst v63  }
0x4a: {  	p1 =	sne.s32 s9, $0x4C0;
	_ =	swait.ge [sflag:s18], $0x80  }
0x4b: {  	[sflag:s18] =	ssyncset.done $0x0  }
0x4c: {  	s9 =	sadd.s32 s8, s14;
	[sflag:s18] =	ssyncadd.s32 $0xFFFFFF80  }
0x4d: {  	[tilespmem:s20], [sflag:$0x3] =	stream.linear.gather [hbm4b:s9+s2], $0x80, $0x38;
	[tilespmem:$0x1C380] =	vst v63  }
0x4e: {  	_ =	swait.ge [sflag:s18], $0x80  }
0x4f: {  	[sflag:s18] =	ssyncset.done $0x0  }
0x50: {  	[sflag:s18] =	ssyncadd.s32 $0xFFFFFF80  }
0x51: {  	[tilespmem:s22], [sflag:$0x1] =	stream.indirect.gather [hbm4b:s3+s21], $0x80, s19, s21, $0xb8;
	[tilespmem:$0x1C380] =	vst v63  }
0x52: {  	s9 =	sadd.s32 s8, s17  }
0x53: {  	[tilespmem:s23], [sflag:$0x3] =	stream.linear.gather [hbm4b:s9+s2], $0x80, $0x38;
	[tilespmem:$0x1C380] =	vst v63  }
0x54: {  	_ =	swait.ge [sflag:s18], $0x80  }
0x55: {  	[sflag:s18] =	ssyncset.done $0x0  }
0x56: {  	s9 =	sadd.s32 s8, s16;
	s8 =	smov.u32 s12;
	[sflag:s18] =	ssyncadd.s32 $0xFFFFFF80  }
0x57: {  	[tilespmem:s24], [sflag:$0x3] =	stream.linear.gather [hbm4b:s9+s2], $0x80, $0x38;
	[tilespmem:$0x1C380] =	vst v63  }
0x58: {  	_ =	swait.ge [sflag:s18], $0x80  }
0x59: {  	[sflag:s18] =	ssyncset.done $0x0  }
0x5a: {  	[sflag:s18] =	ssyncadd.s32 $0xFFFFFF80  }
0x5b: {  	[tilespmem:s25], [sflag:$0x2] =	stream.indirect.gather [hbm4b:s3+s21], $0x80, s23, s21, $0xb8;
	[tilespmem:$0x1C380] =	vst v63  }
0x5c: {  	_ =	swait.ge [sflag:s26], $0x4000  }
0x5d: {  	[sflag:s26] =	ssyncset.done $0x0  }
0x5e: {  	[sflag:s26] =	ssyncadd.s32 $0xFFFFC000  }
0x5f: {  	[spmem:s1] =	stream.indirect.scatter.add.f32 [tilespmem:s22], [sflag:$0x3], $0x80, s20, s21, $0xb8;
	[tilespmem:$0x1C380] =	vst v63  }
0x60: {  	_ =	swait.ge [sflag:s18], $0x4000  }
0x61: {  	[sflag:s18] =	ssyncset.done $0x0  }
0x62: {  	[sflag:s18] =	ssyncadd.s32 $0xFFFFC000  }
0x63: {  	_ =	swait.ge [sflag:s28], $0x4000  }
.Ltmp0:
0x64: {  	[sflag:s28] =	ssyncset.done $0x0;
	(pc) =	sbr.rel @p1 .LBB2_2-.Ltmp0, $4  }
0x65: {  	[sflag:s28] =	ssyncadd.s32 $0xFFFFC000  }
0x66: {  	[spmem:s1] =	stream.indirect.scatter.add.f32 [tilespmem:s25], [sflag:$0x3], $0x80, s24, s21, $0xb8;
	[tilespmem:$0x1C380] =	vst v63  }
0x67: {  	_ =	swait.ge [sflag:s18], $0x4000  }
0x68: {  	s9 =	smov.u32 s10;
	[sflag:s18] =	ssyncset.done $0x0  }
0x69: {  	s9 =	sadd.s32 s8, s15;
	[sflag:s18] =	ssyncadd.s32 $0xFFFFC000  }
0x6a: {  	[tilespmem:s19], [sflag:$0x3] =	stream.linear.gather [hbm4b:s9+s2], $0x80, $0x38;
	[tilespmem:$0x1C380] =	vst v63  }
0x6b: {  	_ =	swait.ge [sflag:s18], $0x80  }
0x6c: {  	[sflag:s18] =	ssyncset.done $0x0  }
0x6d: {  	s11 =	sadd.s32 s8, s14;
	[sflag:s18] =	ssyncadd.s32 $0xFFFFFF80  }
0x6e: {  	[tilespmem:s20], [sflag:$0x3] =	stream.linear.gather [hbm4b:s11+s2], $0x80, $0x38;
	[tilespmem:$0x1C380] =	vst v63  }
0x6f: {  	_ =	swait.ge [sflag:s18], $0x80  }
0x70: {  	[sflag:s18] =	ssyncset.done $0x0  }
0x71: {  	[sflag:s18] =	ssyncadd.s32 $0xFFFFFF80  }
0x72: {  	[tilespmem:s22], [sflag:$0x1] =	stream.indirect.gather [hbm4b:s3+s21], $0x80, s19, s21, $0xb8;
	[tilespmem:$0x1C380] =	vst v63  }
0x73: {  	s12 =	sadd.s32 s8, s17  }
0x74: {  	[tilespmem:s23], [sflag:$0x3] =	stream.linear.gather [hbm4b:s12+s2], $0x80, $0x38;
	[tilespmem:$0x1C380] =	vst v63  }
0x75: {  	_ =	swait.ge [sflag:s18], $0x80  }
0x76: {  	[sflag:s18] =	ssyncset.done $0x0  }
0x77: {  	s9 =	sadd.s32 s8, s16;
	[sflag:s18] =	ssyncadd.s32 $0xFFFFFF80  }
0x78: {  	[tilespmem:s24], [sflag:$0x3] =	stream.linear.gather [hbm4b:s9+s2], $0x80, $0x38;
	[tilespmem:$0x1C380] =	vst v63  }
0x79: {  	_ =	swait.ge [sflag:s18], $0x80  }
0x7a: {  	[sflag:s18] =	ssyncset.done $0x0  }
0x7b: {  	[sflag:s18] =	ssyncadd.s32 $0xFFFFFF80  }
0x7c: {  	[tilespmem:s25], [sflag:$0x2] =	stream.indirect.gather [hbm4b:s3+s21], $0x80, s23, s21, $0xb8;
	[tilespmem:$0x1C380] =	vst v63  }
0x7d: {  	_ =	swait.ge [sflag:s26], $0x4000  }
0x7e: {  	[sflag:s26] =	ssyncset.done $0x0  }
0x7f: {  	[sflag:s26] =	ssyncadd.s32 $0xFFFFC000  }
0x80: {  	[spmem:s1] =	stream.indirect.scatter.add.f32 [tilespmem:s22], [sflag:$0x3], $0x80, s20, s21, $0xb8;
	[tilespmem:$0x1C380] =	vst v63  }
0x81: {  	_ =	swait.ge [sflag:s18], $0x4000  }
0x82: {  	[sflag:s18] =	ssyncset.done $0x0  }
0x83: {  	[sflag:s18] =	ssyncadd.s32 $0xFFFFC000  }
0x84: {  	_ =	swait.ge [sflag:s28], $0x4000  }
0x85: {  	[sflag:s28] =	ssyncset.done $0x0  }
0x86: {  	[sflag:s28] =	ssyncadd.s32 $0xFFFFC000  }
0x87: {  	[spmem:s1] =	stream.indirect.scatter.add.f32 [tilespmem:s25], [sflag:$0x3], $0x80, s24, s21, $0xb8;
	[tilespmem:$0x1C380] =	vst v63  }
0x88: {  	_ =	swait.ge [sflag:s18], $0x4000  }
0x89: {  	[sflag:s18] =	ssyncset.done $0x0  }
0x8a: {  	s10 =	rddreg [dreg:$0x8];
	[sflag:s18] =	ssyncadd.s32 $0xFFFFC000  }
0x8b: {  	[tilespmem:s29], [sflag:$0x3] =	stream.linear.gather [hbm4b:s10+s2], $0x10, $0x38;
	[tilespmem:$0x1C380] =	vst v63  }
0x8c: {  	_ =	swait.ge [sflag:s18], $0x10  }
0x8d: {  	[sflag:s18] =	ssyncset.done $0x0  }
0x8e: {  	s11 =	rddreg [dreg:$0x9];
	[sflag:s18] =	ssyncadd.s32 $0xFFFFFFF0  }
0x8f: {  	[tilespmem:s30], [sflag:$0x3] =	stream.linear.gather [hbm4b:s11+s2], $0x10, $0x38;
	[tilespmem:$0x1C380] =	vst v63  }
0x90: {  	_ =	swait.ge [sflag:s18], $0x10  }
0x91: {  	[sflag:s18] =	ssyncset.done $0x0  }
0x92: {  	[sflag:s18] =	ssyncadd.s32 $0xFFFFFFF0  }
0x93: {  	[tilespmem:s0], [sflag:$0x1] =	stream.indirect.gather [hbm4b:s3+s31], $0x80, s29, s31, $0xb8;
	[tilespmem:$0x1C380] =	vst v63  }
0x94: {  	_ =	swait.ge [sflag:s26], $0x800  }
0x95: {  	[sflag:s26] =	ssyncset.done $0x0  }
0x96: {  	[sflag:s26] =	ssyncadd.s32 $0xFFFFF800  }
0x97: {  	[spmem:s1] =	stream.indirect.scatter.add.f32 [tilespmem:s0], [sflag:$0x3], $0x80, s30, s31, $0xb8;
	[tilespmem:$0x1C380] =	vst v63  }
0x98: {  	_ =	swait.ge [sflag:s18], $0x800  }
0x99: {  	[sflag:s18] =	ssyncset.done $0x0  }
0x9a: {  	[sflag:s18] =	ssyncadd.s32 $0xFFFFF800  }
0x9b: {  	[bflag:$0x0] =	sbarrier.arrive $0xFFFF  }
0x9c: {  	s12 =	rddreg [dreg:$0xa]  }
0x9d: {  	[hbm:s12], [sflag:s6] =	dma.local [spmem:s5], $0x2700  }
0x9e: {  	_ =	swait.ge [sflag:s18], $0x2700  }
0x9f: {  	s4 =	sadd.s32 $0x1, s4;
	[sflag:s18] =	ssyncset.done $0x0  }
0xa0: {  	p1 =	sne.s32 s4, s13;
	s5 =	rddreg [dreg:$0xb];
	[sflag:s18] =	ssyncadd.s32 $0xFFFFD900  }
0xa1: {  	[hbm:s5], [sflag:s6] =	dma.local @!p0 [spmem:s7], $0x100  }
.Ltmp1:
0xa2: {  	_ = 	snop;
	(pc) =	sbr.rel @p1 .LBB2_1-.Ltmp1, $4  }
0xa3: {  	s5 =	simm.s32 @!p0 $0x3  }
0xa4: {  	_ =	swait.ge @!p0 [sflag:s5], $0x100  }
0xa5: {  	[sflag:s5] =	ssyncset.done @!p0 $0x0  }
0xa6: {  	[sflag:s5] =	ssyncadd.s32 @!p0 $0xFFFFFF00  }
0xa7: {  	_ =	sfence.sel $0x180000  }
0xa8: {  	[bflag:$0x0] =	sbarrier.arrive $0xFFFF  }
0xa9: {  	_ =	strace $0x9000004D  }
0xaa: {  	[bflag:$0x2] =	sbarrier.arrive $0xFFFF  }
0xab: {  	s0 =	rddreg [dreg:$0x3]  }
0xac: {  	s0 =	sadd.s32 @!p0 $0x100000, s0  }
0xad: {  	[sflag:s0] =	ssyncadd.tile.s32 @!p0 $0x1;
	_ =	shalt  }
.Lfunc_end2:
_tile_overlayer_lowered:
.L_overlay_start_2:
0xae: {  	(tag) =	ssettag $0x2  }
0xaf: {  	s0 =	rddreg [dreg:$0x0];
	s2 =	stileid.u32  }
0xb0: {  	s1 =	rddreg [dreg:$0x1];
	p0 =	sne.s32 s2, $0x0  }
0xb1: {  	s3 =	rddreg [dreg:$0x2];
	[bflag:$0x3] =	sbarrier.arrive $0xFFFF;
	s2 =	simm.s32 @!p0 $0x1C03  }
0xb2: {  	[timem:s3], [sflag:s2] =	dma.local @!p0 [hbm:s0], s1  }
0xb3: {  	s0 =	simm.s32 @!p0 $0x3  }
0xb4: {  	_ =	swait.ge @!p0 [sflag:s0], s1  }
0xb5: {  	s1 =	ssub.s32 @!p0 $0x0, s1;
	[sflag:s0] =	ssyncset.done @!p0 $0x0  }
0xb6: {  	[sflag:s0] =	ssyncadd.s32 @!p0 s1  }
0xb7: {  	[bflag:$0x3] =	sbarrier.arrive $0xFFFF  }
0xb8: {  	_ =	shalt  }

// kernel: kernel.8.cloned.1.call-start
scs
__scs_entry_jumppad:
0x0: {  	(pc) =	sbr.rel $0x88, $3  }
0x1: {  	(tag) =	ssettag $0x0;
	lr =	simm.s32 $0x1  }
0x2: {  	[smem:$0x3F9B] =	sst lr;
	_ =	strace $0xD0000000  }
0x3: {  	_ = 	snop  }
0x4: {  	_ = 	snop  }
0x5: {  	_ = 	snop  }
0x6: {  	_ = 	snop  }
0x7: {  	_ = 	snop  }
__scs_overlays_trampoline_lowered:
0x8: {  	[smem:$0x3FAA] =	sst s0  }
0x9: {  	[smem:$0x3FAB] =	sst s1  }
0xa: {  	[smem:$0x3FAC] =	sst s2  }
0xb: {  	[smem:$0x3FAD] =	sst s3  }
0xc: {  	[smem:$0x3FAE] =	sst s4  }
0xd: {  	[smem:$0x3FAF] =	sst s5  }
0xe: {  	[smem:$0x3FB0] =	sst s6  }
0xf: {  	[smem:$0x3FB1] =	sst s7  }
0x10: {  	[smem:$0x3FB2] =	sst s8  }
0x11: {  	[smem:$0x3FB3] =	sst s9;
	s0 =	simm.s32 @!p0 $0x0  }
0x12: {  	s1 =	sld [smem:$0x3F99];
	s0 =	simm.s32 @p0 $0x1  }
0x13: {  	[smem:$0x3FB4] =	sst s0;
	s0 =	simm.s32 @!p1 $0x0  }
0x14: {  	s2 =	sld [smem:$0x3F98];
	s0 =	simm.s32 @p1 $0x1  }
0x15: {  	[smem:$0x3FB5] =	sst s0;
	s0 =	simm.s32 @!p2 $0x0  }
0x16: {  	s3 =	sld [smem:$0x3FDB];
	s0 =	simm.s32 @p2 $0x1  }
0x17: {  	s4 =	simm.s32 $0x1BF5;
	[smem:$0x3FB7] =	sst s0  }
0x18: {  	s0 =	sld [smem:$0x3F9A];
	_ =	swait.ge [sflag:s4], $0x0  }
0x19: {  	s7 =	sld [smem:$0x3F9B]  }
0x1a: {  	s8 =	sadd.s32 $0xFFFFE003, lr  }
0x1b: {  	s9 =	sadd.s32 $0xFFFFFEF7, lr;
	s5 =	simm.s32 $0xFFFFFFFF;
	p2 =	slt.u32 s8, $0xFFFFF086  }
0x1c: {  	p1 =	slt.u32 s9, $0xF7A;
	s5 =	simm.s32 @!p2 $0x0  }
0x1d: {  	s5 =	simm.s32 @p1 $0x1;
	p0 =	seq.s32 s7, s2  }
0x1e: {  	s7 =	smul.u32 @!p0 $0xF7A, s2;
	p2 =	seq.s32 @!p0 s5, $0x0  }
0x1f: {  	s9 =	smul.u32 $0xF7A, s1;
	s8 =	simm.s32 @!p0 $0x1BF5;
	p2 =	por !p2, p0  }
0x20: {  	[sflag:s8] =	ssyncset.s32 @!p0 $0xFFFFF086;
	s6 =	sadd.s32 @!p0 s3, s7;
	s7 =	simm.s32 @!p0 $0x108  }
0x21: {  	s3 =	sadd.s32 s3, s9;
	s6 =	sadd.s32 @!p0 $0x88, s6;
	s7 =	simm.s32 @p2 $0x1082  }
0x22: {  	[simem:s7], [sflag:s8] =	dma.local @!p0 [hbm:s6], $0xF7A  }
0x23: {  	s9 =	sor.u32 $0xD0000000, s2;
	s6 =	simm.s32 $0x108;
	_ =	swait.ge @!p0 [sflag:s8], $0x0  }
0x24: {  	s3 =	sadd.s32 $0x88, s3;
	s6 =	simm.s32 @!p1 $0x1082;
	[sflag:s4] =	ssyncset.s32 $0xFFFFF086  }
0x25: {  	[simem:s6], [sflag:s4] =	dma.local [hbm:s3], $0xF7A  }
0x26: {  	[smem:$0x3F9B] =	sst s1;
	(tag) =	ssettag s2;
	_ =	strace s9  }
0x27: {  	s1 =	sld [smem:$0x3FAB]  }
0x28: {  	s2 =	sld [smem:$0x3FAC]  }
0x29: {  	s4 =	sld [smem:$0x3FAE]  }
0x2a: {  	p0 =	seq.s32 s5, $0x0;
	s5 =	sld [smem:$0x3FAF]  }
0x2b: {  	s6 =	sld [smem:$0x3FB0]  }
0x2c: {  	s7 =	sld [smem:$0x3FB1]  }
0x2d: {  	s3 =	simm.s32 $0x108;
	s8 =	sld [smem:$0x3FB2]  }
0x2e: {  	s3 =	simm.s32 @!p0 $0x1082;
	s9 =	sld [smem:$0x3FB3]  }
0x2f: {  	lr =	sadd.s32 s0, s3;
	s0 =	sld [smem:$0x3FAA]  }
0x30: {  	s3 =	sld [smem:$0x3FAD]  }
0x31: {  	[smem:$0x3FB6] =	sst s10  }
0x32: {  	s10 =	sld [smem:$0x3FB4];
	_ =	sdelay $0x3  }
0x33: {  	p0 =	seq.s32 s10, $0x1;
	s10 =	sld [smem:$0x3FB6];
	_ =	sdelay $0x3  }
0x34: {  	[smem:$0x3FB6] =	sst s10  }
0x35: {  	s10 =	sld [smem:$0x3FB5];
	_ =	sdelay $0x3  }
0x36: {  	p1 =	seq.s32 s10, $0x1;
	s10 =	sld [smem:$0x3FB6];
	_ =	sdelay $0x3  }
0x37: {  	[smem:$0x3FB6] =	sst s10  }
0x38: {  	s10 =	sld [smem:$0x3FB7]  }
0x39: {  	_ = 	snop;
	(pc) =	sbr.ind lr, $3  }
0x3a: {  	_ = 	snop  }
0x3b: {  	_ = 	snop  }
0x3c: {  	p2 =	seq.s32 s10, $0x1;
	s10 =	sld [smem:$0x3FB6]  }
0x3d: {  	_ =	shalt  }
0x3e: {  	_ =	shalt  }
0x3f: {  	_ =	shalt  }
0x40: {  	_ =	shalt  }
0x41: {  	_ =	shalt  }
0x42: {  	_ =	shalt  }
0x43: {  	_ =	shalt  }
0x44: {  	_ =	shalt  }
0x45: {  	_ =	shalt  }
0x46: {  	_ =	shalt  }
0x47: {  	_ =	shalt  }
0x48: {  	_ =	shalt  }
0x49: {  	_ =	shalt  }
0x4a: {  	_ =	shalt  }
0x4b: {  	_ =	shalt  }
0x4c: {  	_ =	shalt  }
0x4d: {  	_ =	shalt  }
0x4e: {  	_ =	shalt  }
0x4f: {  	_ =	shalt  }
0x50: {  	_ =	shalt  }
0x51: {  	_ =	shalt  }
0x52: {  	_ =	shalt  }
0x53: {  	_ =	shalt  }
0x54: {  	_ =	shalt  }
0x55: {  	_ =	shalt  }
0x56: {  	_ =	shalt  }
0x57: {  	_ =	shalt  }
0x58: {  	_ =	shalt  }
0x59: {  	_ =	shalt  }
0x5a: {  	_ =	shalt  }
0x5b: {  	_ =	shalt  }
0x5c: {  	_ =	shalt  }
0x5d: {  	_ =	shalt  }
0x5e: {  	_ =	shalt  }
0x5f: {  	_ =	shalt  }
0x60: {  	_ =	shalt  }
0x61: {  	_ =	shalt  }
0x62: {  	_ =	shalt  }
0x63: {  	_ =	shalt  }
0x64: {  	_ =	shalt  }
0x65: {  	_ =	shalt  }
0x66: {  	_ =	shalt  }
0x67: {  	_ =	shalt  }
0x68: {  	_ =	shalt  }
0x69: {  	_ =	shalt  }
0x6a: {  	_ =	shalt  }
0x6b: {  	_ =	shalt  }
0x6c: {  	_ =	shalt  }
0x6d: {  	_ =	shalt  }
0x6e: {  	_ =	shalt  }
0x6f: {  	_ =	shalt  }
0x70: {  	_ =	shalt  }
0x71: {  	_ =	shalt  }
0x72: {  	_ =	shalt  }
0x73: {  	_ =	shalt  }
0x74: {  	_ =	shalt  }
0x75: {  	_ =	shalt  }
0x76: {  	_ =	shalt  }
0x77: {  	_ =	shalt  }
0x78: {  	_ =	shalt  }
0x79: {  	_ =	shalt  }
0x7a: {  	_ =	shalt  }
0x7b: {  	_ =	shalt  }
0x7c: {  	_ =	shalt  }
0x7d: {  	_ =	shalt  }
0x7e: {  	_ =	shalt  }
0x7f: {  	_ =	shalt  }
0x80: {  	_ =	shalt  }
0x81: {  	_ =	shalt  }
0x82: {  	_ =	shalt  }
0x83: {  	_ =	shalt  }
0x84: {  	_ =	shalt  }
0x85: {  	_ =	shalt  }
0x86: {  	_ =	shalt  }
0x87: {  	_ =	shalt  }
.Lfunc_end0:
.L_simem_size_0:
called_computation_lowered:
.L_overlay_start_0:
0x88: {  	s2 =	sld [smem:$0x3FD9]  }
0x89: {  	s3 =	sld [smem:$0x3FFE];
	_ =	sdelay $0x1  }
0x8a: {  	s1 =	srdreg.scid  }
0x8b: {  	s0 =	sand.u32 $0x1, s1  }
0x8c: {  	s17 =	sshll.u32 s0, $0xA;
	s2 =	sadd.s32 s3, s2  }
0x8d: {  	s2 =	sadd.s32 s2, s17  }
0x8e: {  	[smem:$0x3FC2] =	sst s2  }
0x8f: {  	_ = 	snop  }
0x90: {  	s2 =	sld [smem:$0x3FD0];
	(tm) =	ssettm $0x1  }
0x91: {  	s18 =	sld [smem:$0x3FFB];
	_ =	sdelay $0x3  }
0x92: {  	_ =	strace s18  }
0x93: {  	s3 =	sld [smem:$0x3FFC];
	_ =	sdelay $0x3  }
0x94: {  	_ =	strace s3  }
0x95: {  	s3 =	sld [smem:$0x3FFD];
	_ =	sdelay $0x3  }
0x96: {  	_ =	strace s3  }
0x97: {  	_ =	strace $0x8FFFFFFF  }
0x98: {  	s19 =	sld [smem:$0x3FDB];
	_ =	sdelay $0x1  }
0x99: {  	s4 =	simm.s32 $_scs_section_size  }
0x9a: {  	s5 =	simm.s32 $_size__tile_overlayer_lowered;
	s6 =	simm.s32 $_tile_overlayer_lowered  }
0x9b: {  	s22 =	simm.s32 $0x1BFF;
	s21 =	sshll.u32 s6, $0x1;
	s3 =	sadd.s32 s4, s19  }
0x9c: {  	s7 =	simm.s32 $0x0;
	s20 =	sshll.u32 s5, $0x1;
	s5 =	sadd.s32 s21, s3  }
0x9d: {  	[timem:s7], [sflag:s22] =	dma.local [hbm:s5], s20  }
0x9e: {  	_ =	swait.ge [sflag:s22], s20  }
0x9f: {  	s4 =	ssub.s32 $0x0, s20;
	[sflag:s22] =	ssyncset.done $0x0  }
0xa0: {  	[sflag:s22] =	ssyncadd.s32 s4;
	_ =	sdelay $0x1  }
0xa1: {  	s23 =	simm.s32 $0x1B8B  }
0xa2: {  	_ =	swait.ge [sflag:s23], $0x1  }
0xa3: {  	[sflag:s23] =	ssyncset.done $0x0  }
0xa4: {  	s25 =	simm.s32 $0x1B8E;
	s24 =	sld [smem:$0x3FFE];
	[sflag:s23] =	ssyncadd.s32 $0xFFFFFFFF  }
0xa5: {  	s26 =	simm.s32 $execute0_lowered;
	[smem:$0x3FD2] =	sst s25  }
0xa6: {  	s5 =	sshll.u32 s26, $0x1;
	_ =	strace $0x80000046;
	[dreg:$0x1] =	wrdreg $0xFFFFFFFF  }
0xa7: {  	s28 =	simm.s32 $_size_execute0_lowered;
	s3 =	sadd.s32 s3, s5;
	[dreg:$0x0] =	wrdreg $0x0  }
0xa8: {  	s5 =	sshll.u32 s28, $0x1;
	[dreg:$0x2] =	wrdreg s3  }
0xa9: {  	[dreg:$0x3] =	wrdreg s5  }
0xaa: {  	[dreg:$0x4] =	wrdreg $0xC0  }
0xab: {  	_ =	task [dreg:s7], $0x5FFFF  }
0xac: {  	[dreg:$0x1] =	wrdreg $0xFFFFFFFF  }
0xad: {  	[dreg:$0x0] =	wrdreg $0x60  }
0xae: {  	[dreg:$0x2] =	wrdreg s24  }
0xaf: {  	[dreg:$0x3] =	wrdreg s2  }
0xb0: {  	[dreg:$0x4] =	wrdreg $0x0  }
0xb1: {  	[dreg:$0x5] =	wrdreg $0x9  }
0xb2: {  	_ =	task.clear_ibuf [dreg:s7], $0x6FFFF;
	_ =	strace $0x90000046  }
0xb3: {  	s29 =	simm.s32 $0x9;
	_ =	strace $0x80000048  }
0xb4: {  	_ =	swait.ge [sflag:s29], $0x1  }
0xb5: {  	[sflag:s29] =	ssyncadd.s32 $0xFFFFFFFF  }
0xb6: {  	_ =	strace $0x90000048  }
0xb7: {  	_ =	sfence  }
0xb8: {  	s30 =	sld [smem:$0x0];
	_ =	sdelay $0x2  }
0xb9: {  	s31 =	sshll.u32 s1, $0xD;
	s1 =	sshrl.u32 s1, $0x2  }
0xba: {  	s3 =	sand.u32 $0x4000, s31;
	s1 =	sadd.s32 s1, s30  }
0xbb: {  	s0 =	sor.u32 s3, s0;
	s1 =	sshll.u32 s1, $0x11  }
0xbc: {  	s0 =	sor.u32 s1, s0  }
0xbd: {  	s0 =	sadd.s32 $0x8F2B, s0  }
0xbe: {  	[sflag:s0] =	ssyncadd.remote.s32 $0x1  }
0xbf: {  	_ =	sfence.sel $0xFFFF  }
0xc0: {  	[dreg:$0x0] =	wrdreg $0xFFFFFFFF;
	(pc) =	sbr.abs _section_cstart, $3  }
0xc1: {  	[dreg:$0x1] =	wrdreg $0xFFFFFFFF  }
0xc2: {  	_ =	task.clear_ibuf [dreg:s7], $0x2FFFF;
	_ =	strace $0x9FFFFFFF  }
0xc3: {  	(tm) =	ssettm $0x7FFFFFFF  }
tec
execute0_lowered:
.L_overlay_start_1:
0x0: {  	(tag) =	ssettag $0x1  }
0x1: {  	s0 =	rddreg [dreg:$0x0]  }
0x2: {  	s4 =	rddreg [dreg:$0x1]  }
0x3: {  	s1 =	rddreg [dreg:$0x2];
	s2 =	simm.s32 $0x0;
	s6 =	srdreg.scid  }
0x4: {  	s8 =	stileid.u32;
	s28 =	simm.s32 $0x2;
	s29 =	simm.s32 $0x1C280  }
0x5: {  	s30 =	simm.s32 $0x1C300;
	s31 =	simm.s32 $0x10;
	[smem:$0x7FF] =	sst s2  }
0x6: {  	s3 =	sadd.s32 $0xC000, s0;
	s5 =	sadd.s32 $0x2200, s0;
	s11 =	smul.u32 $0x4E000, s8  }
0x7: {  	s7 =	sadd.s32 $0x33200, s0;
	s9 =	sand.u32 $0x1, s6;
	s13 =	smul.u32 $0x13800, s8  }
0x8: {  	s17 =	sshll.u32 s8, $0x6;
	s18 =	sadd.s32 $0x138000, s1;
	s0 =	sadd.s32 $0x33000, s0  }
0x9: {  	s23 =	smul.u32 $0x2710, s8;
	p0 =	sne.s32 s8, $0x0;
	_ =	strace $0x80000047  }
0xa: {  	s6 =	ssub.s32 $0x2, s9;
	[dreg:$0x6] =	wrdreg s18;
	s19 =	smul.u32 $0x138800, s9  }
0xb: {  	s10 =	sshll.u32 s9, $0x4;
	[dreg:$0x7] =	wrdreg s0;
	s21 =	smul.u32 $0x27100, s9  }
0xc: {  	s18 =	simm.s32 $0x3;
	s12 =	sshrl.u32 s6, $0x1;
	s10 =	sor.u32 s8, s10  }
0xd: {  	s15 =	sshrl.u32 s11, $0x2;
	s16 =	sshrl.u32 s13, $0x3;
	s14 =	ssub.s32 s6, s12  }
0xe: {  	s10 =	smul.u32 $0x2710, s10;
	s6 =	sadd.s32 s15, s1;
	s22 =	sadd.s32 s13, s19  }
0xf: {  	s11 =	sshrl.u32 s19, $0x3;
	s0 =	sadd.s32 s23, s21;
	s19 =	simm.s32 $0x1B880  }
0x10: {  	s21 =	simm.s32 $0x80;
	s23 =	simm.s32 $0x1B980;
	[dreg:$0x4] =	wrdreg s6  }
0x11: {  	s6 =	sadd.s32 s3, s16;
	s9 =	sshrl.u32 s22, $0x3;
	s24 =	sadd.s32 s7, s11  }
0x12: {  	s13 =	smax.u32 s14, $0x1;
	s26 =	sshrl.u32 s0, $0x3;
	s0 =	sadd.s32 $0x80, s0  }
0x13: {  	s22 =	simm.s32 $0x13880;
	[dreg:$0x5] =	wrdreg s6;
	s6 =	sor.u32 $0x1C03, s17  }
0x14: {  	s10 =	sshrl.u32 s10, $0x3;
	s7 =	sadd.s32 s7, s9;
	s25 =	sadd.s32 $0x27000, s24  }
0x15: {  	s14 =	sadd.s32 s26, s4;
	s15 =	sadd.s32 s26, s5;
	s0 =	sshrl.u32 s0, $0x3  }
0x16: {  	s24 =	simm.s32 $0x1BA00;
	s26 =	simm.s32 $0x1;
	[dreg:$0xa] =	wrdreg s7  }
0x17: {  	s10 =	sadd.s32 $0x4E0, s10;
	[dreg:$0xb] =	wrdreg s25;
	s16 =	sadd.s32 s0, s4  }
0x18: {  	s17 =	sadd.s32 s0, s5;
	s25 =	simm.s32 $0x17880;
	s20 =	sadd.s32 s5, s10  }
0x19: {  	s0 =	simm.s32 $0x1BA80;
	s10 =	sadd.s32 s4, s10;
	[dreg:$0x8] =	wrdreg s20  }
0x1a: {  	s4 =	simm.s32 $0x0;
	[dreg:$0x9] =	wrdreg s10;
	s20 =	simm.s32 $0x1B900  }
.LBB2_1:
0x1b: {  	s5 =	rddreg [dreg:$0x4]  }
0x1c: {  	s7 =	rddreg [dreg:$0x5];
	s5 =	sshrl.u32 s5, $0x3  }
0x1d: {  	[spmem:s5], [sflag:s6] =	dma.local [hbm:s7], $0x2700  }
0x1e: {  	_ =	swait.ge [sflag:s18], $0x2700  }
0x1f: {  	[sflag:s18] =	ssyncset.done $0x0;
	s7 =	rddreg [dreg:$0x6]  }
0x20: {  	s8 =	rddreg [dreg:$0x7];
	[sflag:s18] =	ssyncadd.s32 $0xFFFFD900;
	s7 =	sshrl.u32 @!p0 s7, $0x3  }
0x21: {  	[spmem:s7], [sflag:s6] =	dma.local @!p0 [hbm:s8], $0x100  }
0x22: {  	s8 =	simm.s32 @!p0 $0x3  }
0x23: {  	_ =	swait.ge @!p0 [sflag:s8], $0x100  }
0x24: {  	[sflag:s8] =	ssyncset.done @!p0 $0x0  }
0x25: {  	[sflag:s8] =	ssyncadd.s32 @!p0 $0xFFFFFF00  }
0x26: {  	s9 =	sadd.s32 $0x0, s15;
	[bflag:$0x0] =	sbarrier.arrive $0xFFFF  }
0x27: {  	[tilespmem:s19], [sflag:$0x3] =	stream.linear.gather [hbm4b:s9+s2], $0x80, $0x38;
	[tilespmem:$0x1C380] =	vst v63  }
0x28: {  	_ =	swait.ge [sflag:s18], $0x80  }
0x29: {  	[sflag:s18] =	ssyncset.done $0x0  }
0x2a: {  	s10 =	sadd.s32 $0x0, s14;
	[sflag:s18] =	ssyncadd.s32 $0xFFFFFF80  }
0x2b: {  	[tilespmem:s20], [sflag:$0x3] =	stream.linear.gather [hbm4b:s10+s2], $0x80, $0x38;
	[tilespmem:$0x1C380] =	vst v63  }
0x2c: {  	_ =	swait.ge [sflag:s18], $0x80  }
0x2d: {  	[sflag:s18] =	ssyncset.done $0x0  }
0x2e: {  	[sflag:s18] =	ssyncadd.s32 $0xFFFFFF80  }
0x2f: {  	[tilespmem:s22], [sflag:$0x1] =	stream.indirect.gather [hbm4b:s3+s21], $0x80, s19, s21, $0xb8;
	[tilespmem:$0x1C380] =	vst v63  }
0x30: {  	s11 =	sadd.s32 $0x0, s17  }
0x31: {  	[tilespmem:s23], [sflag:$0x3] =	stream.linear.gather [hbm4b:s11+s2], $0x80, $0x38;
	[tilespmem:$0x1C380] =	vst v63  }
0x32: {  	_ =	swait.ge [sflag:s18], $0x80  }
0x33: {  	[sflag:s18] =	ssyncset.done $0x0  }
0x34: {  	s12 =	sadd.s32 $0x0, s16;
	[sflag:s18] =	ssyncadd.s32 $0xFFFFFF80  }
0x35: {  	[tilespmem:s24], [sflag:$0x3] =	stream.linear.gather [hbm4b:s12+s2], $0x80, $0x38;
	[tilespmem:$0x1C380] =	vst v63  }
0x36: {  	_ =	swait.ge [sflag:s18], $0x80  }
0x37: {  	[sflag:s18] =	ssyncset.done $0x0  }
0x38: {  	[sflag:s18] =	ssyncadd.s32 $0xFFFFFF80  }
0x39: {  	[tilespmem:s25], [sflag:$0x2] =	stream.indirect.gather [hbm4b:s3+s21], $0x80, s23, s21, $0xb8;
	[tilespmem:$0x1C380] =	vst v63  }
0x3a: {  	_ =	swait.ge [sflag:s26], $0x4000  }
0x3b: {  	[sflag:s26] =	ssyncset.done $0x0  }
0x3c: {  	[sflag:s26] =	ssyncadd.s32 $0xFFFFC000  }
0x3d: {  	[spmem:s1] =	stream.indirect.scatter.add.f32 [tilespmem:s22], [sflag:$0x3], $0x80, s20, s21, $0xb8;
	[tilespmem:$0x1C380] =	vst v63  }
0x3e: {  	_ =	swait.ge [sflag:s18], $0x4000  }
0x3f: {  	[sflag:s18] =	ssyncset.done $0x0  }
0x40: {  	[sflag:s18] =	ssyncadd.s32 $0xFFFFC000  }
0x41: {  	_ =	swait.ge [sflag:s28], $0x4000  }
0x42: {  	[sflag:s28] =	ssyncset.done $0x0  }
0x43: {  	[sflag:s28] =	ssyncadd.s32 $0xFFFFC000  }
0x44: {  	[spmem:s1] =	stream.indirect.scatter.add.f32 [tilespmem:s25], [sflag:$0x3], $0x80, s24, s21, $0xb8;
	[tilespmem:$0x1C380] =	vst v63  }
0x45: {  	_ =	swait.ge [sflag:s18], $0x4000  }
0x46: {  	s8 =	simm.s32 $0x20;
	s9 =	simm.s32 $0x40;
	[sflag:s18] =	ssyncset.done $0x0  }
.LBB2_2:
0x47: {  	s11 =	sadd.s32 s8, s15  }
0x48: {  	[sflag:s18] =	ssyncadd.s32 $0xFFFFC000;
	s12 =	smov.u32 s9;
	s10 =	sadd.s32 $0x20, s9  }
0x49: {  	[tilespmem:s19], [sflag:$0x3] =	stream.linear.gather [hbm4b:s11+s2], $0x80, $0x38;
	[tilespmem:$0x1C380] =	vst v63  }
0x4a: {  	p1 =	sne.s32 s9, $0x4C0;
	_ =	swait.ge [sflag:s18], $0x80  }
0x4b: {  	[sflag:s18] =	ssyncset.done $0x0  }
0x4c: {  	s9 =	sadd.s32 s8, s14;
	[sflag:s18] =	ssyncadd.s32 $0xFFFFFF80  }
0x4d: {  	[tilespmem:s20], [sflag:$0x3] =	stream.linear.gather [hbm4b:s9+s2], $0x80, $0x38;
	[tilespmem:$0x1C380] =	vst v63  }
0x4e: {  	_ =	swait.ge [sflag:s18], $0x80  }
0x4f: {  	[sflag:s18] =	ssyncset.done $0x0  }
0x50: {  	[sflag:s18] =	ssyncadd.s32 $0xFFFFFF80  }
0x51: {  	[tilespmem:s22], [sflag:$0x1] =	stream.indirect.gather [hbm4b:s3+s21], $0x80, s19, s21, $0xb8;
	[tilespmem:$0x1C380] =	vst v63  }
0x52: {  	s9 =	sadd.s32 s8, s17  }
0x53: {  	[tilespmem:s23], [sflag:$0x3] =	stream.linear.gather [hbm4b:s9+s2], $0x80, $0x38;
	[tilespmem:$0x1C380] =	vst v63  }
0x54: {  	_ =	swait.ge [sflag:s18], $0x80  }
0x55: {  	[sflag:s18] =	ssyncset.done $0x0  }
0x56: {  	s9 =	sadd.s32 s8, s16;
	s8 =	smov.u32 s12;
	[sflag:s18] =	ssyncadd.s32 $0xFFFFFF80  }
0x57: {  	[tilespmem:s24], [sflag:$0x3] =	stream.linear.gather [hbm4b:s9+s2], $0x80, $0x38;
	[tilespmem:$0x1C380] =	vst v63  }
0x58: {  	_ =	swait.ge [sflag:s18], $0x80  }
0x59: {  	[sflag:s18] =	ssyncset.done $0x0  }
0x5a: {  	[sflag:s18] =	ssyncadd.s32 $0xFFFFFF80  }
0x5b: {  	[tilespmem:s25], [sflag:$0x2] =	stream.indirect.gather [hbm4b:s3+s21], $0x80, s23, s21, $0xb8;
	[tilespmem:$0x1C380] =	vst v63  }
0x5c: {  	_ =	swait.ge [sflag:s26], $0x4000  }
0x5d: {  	[sflag:s26] =	ssyncset.done $0x0  }
0x5e: {  	[sflag:s26] =	ssyncadd.s32 $0xFFFFC000  }
0x5f: {  	[spmem:s1] =	stream.indirect.scatter.add.f32 [tilespmem:s22], [sflag:$0x3], $0x80, s20, s21, $0xb8;
	[tilespmem:$0x1C380] =	vst v63  }
0x60: {  	_ =	swait.ge [sflag:s18], $0x4000  }
0x61: {  	[sflag:s18] =	ssyncset.done $0x0  }
0x62: {  	[sflag:s18] =	ssyncadd.s32 $0xFFFFC000  }
0x63: {  	_ =	swait.ge [sflag:s28], $0x4000  }
.Ltmp0:
0x64: {  	[sflag:s28] =	ssyncset.done $0x0;
	(pc) =	sbr.rel @p1 .LBB2_2-.Ltmp0, $4  }
0x65: {  	[sflag:s28] =	ssyncadd.s32 $0xFFFFC000  }
0x66: {  	[spmem:s1] =	stream.indirect.scatter.add.f32 [tilespmem:s25], [sflag:$0x3], $0x80, s24, s21, $0xb8;
	[tilespmem:$0x1C380] =	vst v63  }
0x67: {  	_ =	swait.ge [sflag:s18], $0x4000  }
0x68: {  	s9 =	smov.u32 s10;
	[sflag:s18] =	ssyncset.done $0x0  }
0x69: {  	s9 =	sadd.s32 s8, s15;
	[sflag:s18] =	ssyncadd.s32 $0xFFFFC000  }
0x6a: {  	[tilespmem:s19], [sflag:$0x3] =	stream.linear.gather [hbm4b:s9+s2], $0x80, $0x38;
	[tilespmem:$0x1C380] =	vst v63  }
0x6b: {  	_ =	swait.ge [sflag:s18], $0x80  }
0x6c: {  	[sflag:s18] =	ssyncset.done $0x0  }
0x6d: {  	s11 =	sadd.s32 s8, s14;
	[sflag:s18] =	ssyncadd.s32 $0xFFFFFF80  }
0x6e: {  	[tilespmem:s20], [sflag:$0x3] =	stream.linear.gather [hbm4b:s11+s2], $0x80, $0x38;
	[tilespmem:$0x1C380] =	vst v63  }
0x6f: {  	_ =	swait.ge [sflag:s18], $0x80  }
0x70: {  	[sflag:s18] =	ssyncset.done $0x0  }
0x71: {  	[sflag:s18] =	ssyncadd.s32 $0xFFFFFF80  }
0x72: {  	[tilespmem:s22], [sflag:$0x1] =	stream.indirect.gather [hbm4b:s3+s21], $0x80, s19, s21, $0xb8;
	[tilespmem:$0x1C380] =	vst v63  }
0x73: {  	s12 =	sadd.s32 s8, s17  }
0x74: {  	[tilespmem:s23], [sflag:$0x3] =	stream.linear.gather [hbm4b:s12+s2], $0x80, $0x38;
	[tilespmem:$0x1C380] =	vst v63  }
0x75: {  	_ =	swait.ge [sflag:s18], $0x80  }
0x76: {  	[sflag:s18] =	ssyncset.done $0x0  }
0x77: {  	s9 =	sadd.s32 s8, s16;
	[sflag:s18] =	ssyncadd.s32 $0xFFFFFF80  }
0x78: {  	[tilespmem:s24], [sflag:$0x3] =	stream.linear.gather [hbm4b:s9+s2], $0x80, $0x38;
	[tilespmem:$0x1C380] =	vst v63  }
0x79: {  	_ =	swait.ge [sflag:s18], $0x80  }
0x7a: {  	[sflag:s18] =	ssyncset.done $0x0  }
0x7b: {  	[sflag:s18] =	ssyncadd.s32 $0xFFFFFF80  }
0x7c: {  	[tilespmem:s25], [sflag:$0x2] =	stream.indirect.gather [hbm4b:s3+s21], $0x80, s23, s21, $0xb8;
	[tilespmem:$0x1C380] =	vst v63  }
0x7d: {  	_ =	swait.ge [sflag:s26], $0x4000  }
0x7e: {  	[sflag:s26] =	ssyncset.done $0x0  }
0x7f: {  	[sflag:s26] =	ssyncadd.s32 $0xFFFFC000  }
0x80: {  	[spmem:s1] =	stream.indirect.scatter.add.f32 [tilespmem:s22], [sflag:$0x3], $0x80, s20, s21, $0xb8;
	[tilespmem:$0x1C380] =	vst v63  }
0x81: {  	_ =	swait.ge [sflag:s18], $0x4000  }
0x82: {  	[sflag:s18] =	ssyncset.done $0x0  }
0x83: {  	[sflag:s18] =	ssyncadd.s32 $0xFFFFC000  }
0x84: {  	_ =	swait.ge [sflag:s28], $0x4000  }
0x85: {  	[sflag:s28] =	ssyncset.done $0x0  }
0x86: {  	[sflag:s28] =	ssyncadd.s32 $0xFFFFC000  }
0x87: {  	[spmem:s1] =	stream.indirect.scatter.add.f32 [tilespmem:s25], [sflag:$0x3], $0x80, s24, s21, $0xb8;
	[tilespmem:$0x1C380] =	vst v63  }
0x88: {  	_ =	swait.ge [sflag:s18], $0x4000  }
0x89: {  	[sflag:s18] =	ssyncset.done $0x0  }
0x8a: {  	s10 =	rddreg [dreg:$0x8];
	[sflag:s18] =	ssyncadd.s32 $0xFFFFC000  }
0x8b: {  	[tilespmem:s29], [sflag:$0x3] =	stream.linear.gather [hbm4b:s10+s2], $0x10, $0x38;
	[tilespmem:$0x1C380] =	vst v63  }
0x8c: {  	_ =	swait.ge [sflag:s18], $0x10  }
0x8d: {  	[sflag:s18] =	ssyncset.done $0x0  }
0x8e: {  	s11 =	rddreg [dreg:$0x9];
	[sflag:s18] =	ssyncadd.s32 $0xFFFFFFF0  }
0x8f: {  	[tilespmem:s30], [sflag:$0x3] =	stream.linear.gather [hbm4b:s11+s2], $0x10, $0x38;
	[tilespmem:$0x1C380] =	vst v63  }
0x90: {  	_ =	swait.ge [sflag:s18], $0x10  }
0x91: {  	[sflag:s18] =	ssyncset.done $0x0  }
0x92: {  	[sflag:s18] =	ssyncadd.s32 $0xFFFFFFF0  }
0x93: {  	[tilespmem:s0], [sflag:$0x1] =	stream.indirect.gather [hbm4b:s3+s31], $0x80, s29, s31, $0xb8;
	[tilespmem:$0x1C380] =	vst v63  }
0x94: {  	_ =	swait.ge [sflag:s26], $0x800  }
0x95: {  	[sflag:s26] =	ssyncset.done $0x0  }
0x96: {  	[sflag:s26] =	ssyncadd.s32 $0xFFFFF800  }
0x97: {  	[spmem:s1] =	stream.indirect.scatter.add.f32 [tilespmem:s0], [sflag:$0x3], $0x80, s30, s31, $0xb8;
	[tilespmem:$0x1C380] =	vst v63  }
0x98: {  	_ =	swait.ge [sflag:s18], $0x800  }
0x99: {  	[sflag:s18] =	ssyncset.done $0x0  }
0x9a: {  	[sflag:s18] =	ssyncadd.s32 $0xFFFFF800  }
0x9b: {  	[bflag:$0x0] =	sbarrier.arrive $0xFFFF  }
0x9c: {  	s12 =	rddreg [dreg:$0xa]  }
0x9d: {  	[hbm:s12], [sflag:s6] =	dma.local [spmem:s5], $0x2700  }
0x9e: {  	_ =	swait.ge [sflag:s18], $0x2700  }
0x9f: {  	s4 =	sadd.s32 $0x1, s4;
	[sflag:s18] =	ssyncset.done $0x0  }
0xa0: {  	p1 =	sne.s32 s4, s13;
	s5 =	rddreg [dreg:$0xb];
	[sflag:s18] =	ssyncadd.s32 $0xFFFFD900  }
0xa1: {  	[hbm:s5], [sflag:s6] =	dma.local @!p0 [spmem:s7], $0x100  }
.Ltmp1:
0xa2: {  	_ = 	snop;
	(pc) =	sbr.rel @p1 .LBB2_1-.Ltmp1, $4  }
0xa3: {  	s5 =	simm.s32 @!p0 $0x3  }
0xa4: {  	_ =	swait.ge @!p0 [sflag:s5], $0x100  }
0xa5: {  	[sflag:s5] =	ssyncset.done @!p0 $0x0  }
0xa6: {  	[sflag:s5] =	ssyncadd.s32 @!p0 $0xFFFFFF00  }
0xa7: {  	_ =	sfence.sel $0x180000  }
0xa8: {  	[bflag:$0x0] =	sbarrier.arrive $0xFFFF  }
0xa9: {  	_ =	strace $0x90000047  }
0xaa: {  	[bflag:$0x2] =	sbarrier.arrive $0xFFFF  }
0xab: {  	s0 =	rddreg [dreg:$0x3]  }
0xac: {  	s0 =	sadd.s32 @!p0 $0x100000, s0  }
0xad: {  	[sflag:s0] =	ssyncadd.tile.s32 @!p0 $0x1;
	_ =	shalt  }
.Lfunc_end2:
_tile_overlayer_lowered:
.L_overlay_start_2:
0xae: {  	(tag) =	ssettag $0x2  }
0xaf: {  	s0 =	rddreg [dreg:$0x0];
	s2 =	stileid.u32  }
0xb0: {  	s1 =	rddreg [dreg:$0x1];
	p0 =	sne.s32 s2, $0x0  }
0xb1: {  	s3 =	rddreg [dreg:$0x2];
	[bflag:$0x3] =	sbarrier.arrive $0xFFFF;
	s2 =	simm.s32 @!p0 $0x1C03  }
0xb2: {  	[timem:s3], [sflag:s2] =	dma.local @!p0 [hbm:s0], s1  }
0xb3: {  	s0 =	simm.s32 @!p0 $0x3  }
0xb4: {  	_ =	swait.ge @!p0 [sflag:s0], s1  }
0xb5: {  	s1 =	ssub.s32 @!p0 $0x0, s1;
	[sflag:s0] =	ssyncset.done @!p0 $0x0  }
0xb6: {  	[sflag:s0] =	ssyncadd.s32 @!p0 s1  }
0xb7: {  	[bflag:$0x3] =	sbarrier.arrive $0xFFFF  }
0xb8: {  	_ =	shalt  }

</sc_bundles>
